<compile_context>
chip_gen: v7x
topology: tpu7x:2x2x1
jax: 0.10.2.dev20260603
libtpu: 0.0.44.dev20260713+nightly
codegen_flags: <defaults>
</compile_context>

<pallas_src>
import functools

import jax
import jax.numpy as jnp
import numpy as np
from jax import lax
from jax.experimental import pallas as pl
from jax.experimental.pallas import tpu as pltpu
from jax.experimental.pallas import tpu_sc as plsc

_E = 160000
_NHE = 10000
_C = 32
_D = 9
_CD = _C * _D
_BE = 3200
_KE = 1600
_L = 16


def _edge_payload_kernel(x_ref, shT_ref, W1_ref, lns_ref, lnb_ref, W2_ref,
                         off_ref, Wrep_ref, Q_ref, out_ref):
    x = x_ref[...]
    h = jnp.dot(x, W1_ref[...], preferred_element_type=jnp.float32)
    mu = jnp.mean(h, axis=-1, keepdims=True)
    var = jnp.mean(jnp.square(h - mu), axis=-1, keepdims=True)
    h = (h - mu) * lax.rsqrt(var + 1e-5) * lns_ref[...] + lnb_ref[...]
    h = h * jax.nn.sigmoid(h)
    w = jnp.dot(h, W2_ref[...], preferred_element_type=jnp.float32) + off_ref[...]
    wg = lax.dot_general(Wrep_ref[...], w, (((1,), (1,)), ((), ())),
                         preferred_element_type=jnp.float32)
    shg = jnp.dot(Q_ref[...], shT_ref[...],
                  preferred_element_type=jnp.float32)
    out_ref[...] = wg * shg


_UN = 4


def _sc_scatter_body(heT_hbm, idx_hbm, bias_hbm, out_hbm, *refs):
    tables = refs[:_D]
    dbuf, ibuf, bbuf, sem0, sem1 = refs[_D:]
    g = lax.axis_index("s") * plsc.get_sparse_core_info().num_cores + lax.axis_index("c")
    row0 = g * _D
    pltpu.sync_copy(bias_hbm.at[pl.ds(row0, _D)], bbuf)
    for d in range(_D):
        bsplat = bbuf[d, :]

        def _init(j, _, d=d, bsplat=bsplat):
            tables[d][pl.ds(j * _L, _L)] = bsplat
            return 0

        lax.fori_loop(0, _NHE // _L, _init, 0)

    sems = (sem0, sem1)

    def _start(ch, b):
        pltpu.async_copy(heT_hbm.at[pl.ds(row0, _D), pl.ds(ch * _KE, _KE)],
                         dbuf.at[b], sems[b])
        pltpu.async_copy(idx_hbm.at[pl.ds(ch * _KE, _KE)], ibuf.at[b], sems[b])

    _start(0, 0)
    _start(1, 1)

    def _outer(i, _):
        for b in range(2):
            pltpu.make_async_copy(heT_hbm.at[pl.ds(row0, _D), pl.ds(0, _KE)],
                                  dbuf.at[b], sems[b]).wait()
            pltpu.make_async_copy(idx_hbm.at[pl.ds(0, _KE)], ibuf.at[b],
                                  sems[b]).wait()

            @plsc.parallel_loop(0, _KE // _L, 1, unroll=_UN)
            def _grp(j, b=b):
                o = j * _L
                seg = ibuf[b, pl.ds(o, _L)]
                for d in range(_D):
                    vals = dbuf[b, d, pl.ds(o, _L)]
                    plsc.addupdate_scatter(tables[d], [seg], vals)
            nxt = i * 2 + b + 2

            @pl.when(nxt < _E // _KE)
            def _(nxt=nxt, b=b):
                _start(nxt, b)
        return 0

    lax.fori_loop(0, (_E // _KE) // 2, _outer, 0)
    for d in range(_D):
        pltpu.sync_copy(tables[d], out_hbm.at[pl.ds((row0 + d) * _NHE, _NHE)])


def kernel(edge_sh, edge_scalar, v2e_index, e2v_index, W1, ln_scale, ln_bias,
           W2, offset, Wl0, Wl1, Wl2, b0):
    he_index = v2e_index[1]
    sh_T = edge_sh.T

    _cs = np.concatenate([np.arange(_C), np.repeat(np.arange(_C), 3),
                          np.repeat(np.arange(_C), 5)])
    _ds = np.concatenate([np.zeros(_C, np.int64), np.tile([1, 2, 3], _C),
                          np.tile([4, 5, 6, 7, 8], _C)])
    scale = np.float32(1.0 / (np.sqrt(_C) * 4.0))
    Wl_stack = jnp.stack([Wl0] + [Wl1] * 3 + [Wl2] * 5, axis=0)
    W_rep = Wl_stack[_ds, :, _cs] * scale
    Q = jnp.eye(_D, dtype=jnp.float32)[_ds]
    bias_big = jnp.concatenate([b0, jnp.zeros((_CD - _C,), jnp.float32)])
    bias_expand = jnp.asarray(jnp.broadcast_to(bias_big[:, None], (_CD, _L)))

    he_T = pl.pallas_call(
        _edge_payload_kernel,
        grid=(_E // _BE,),
        in_specs=[
            pl.BlockSpec((_BE, 64), lambda i: (i, 0)),
            pl.BlockSpec((_D, _BE), lambda i: (0, i)),
            pl.BlockSpec((64, 64), lambda i: (0, 0)),
            pl.BlockSpec((64,), lambda i: (0,)),
            pl.BlockSpec((64,), lambda i: (0,)),
            pl.BlockSpec((64, 32), lambda i: (0, 0)),
            pl.BlockSpec((32,), lambda i: (0,)),
            pl.BlockSpec((_CD, 32), lambda i: (0, 0)),
            pl.BlockSpec((_CD, _D), lambda i: (0, 0)),
        ],
        out_specs=pl.BlockSpec((_CD, _BE), lambda i: (0, i)),
        out_shape=jax.ShapeDtypeStruct((_CD, _E), jnp.float32),
    )(edge_scalar, sh_T, W1, ln_scale, ln_bias, W2, offset, W_rep, Q)

    mesh = plsc.VectorSubcoreMesh(core_axis_name="c", subcore_axis_name="s")
    out_flat = pl.kernel(
        _sc_scatter_body,
        out_type=jax.ShapeDtypeStruct((_CD * _NHE,), jnp.float32),
        mesh=mesh,
        scratch_types=(
            [pltpu.VMEM((_NHE,), jnp.float32) for _ in range(_D)] + [
                pltpu.VMEM((2, _D, _KE), jnp.float32),
                pltpu.VMEM((2, _KE), jnp.int32),
                pltpu.VMEM((_D, _L), jnp.float32),
                pltpu.SemaphoreType.DMA,
                pltpu.SemaphoreType.DMA,
            ]),
        compiler_params=pltpu.CompilerParams(use_tc_tiling_on_sc=False,
                                             needs_layout_passes=False),
    )(he_T, he_index, bias_expand)

    return out_flat.reshape(_CD, _NHE).T

# --- scband reference (transcript-rebuilt; emitter-appended) ---
"""Pipeline reference for scband-hyperedge-embedding-network-29927332118766 (READ-ONLY COPY).

The authoritative reference and input builder live on the scoring server;
editing this copy changes nothing except your own understanding.
"""

import jax, jax.numpy as jnp
import numpy as np

E = 160000
N_HE = 10000
C = 32
D = 9
FC_IN = 64
FC_HID = 64
SCALE = 16.0

def setup_inputs(seed: int = 0):
    key = jax.random.key(seed)
    ks = jax.random.split(key, 16)
    edge_sh = jax.random.normal(ks[0], (E, D), dtype=jnp.float32)
    edge_scalar = jax.random.normal(ks[1], (E, FC_IN), dtype=jnp.float32)
    v2e_index = jax.random.randint(ks[2], (2, E), 0, N_HE, dtype=jnp.int32)
    e2v_index = jax.random.randint(ks[3], (2, N_HE), 0, N_HE, dtype=jnp.int32)
    W1 = jax.random.normal(ks[4], (FC_IN, FC_HID), dtype=jnp.float32) / np.sqrt(FC_IN)
    ln_scale = jnp.ones((FC_HID,), dtype=jnp.float32)
    ln_bias = jnp.zeros((FC_HID,), dtype=jnp.float32)
    W2 = jax.random.normal(ks[5], (FC_HID, C), dtype=jnp.float32) / np.sqrt(FC_HID)
    offset = jnp.zeros((C,), dtype=jnp.float32)
    Wl0 = jax.random.normal(ks[6], (C, C), dtype=jnp.float32)
    Wl1 = jax.random.normal(ks[7], (C, C), dtype=jnp.float32)
    Wl2 = jax.random.normal(ks[8], (C, C), dtype=jnp.float32)
    b0 = jnp.zeros((C,), dtype=jnp.float32)
    return {"edge_sh": edge_sh, "edge_scalar": edge_scalar, "v2e_index": v2e_index, "e2v_index": e2v_index, "W1": W1, "ln_scale": ln_scale, "ln_bias": ln_bias, "W2": W2, "offset": offset, "Wl0": Wl0, "Wl1": Wl1, "Wl2": Wl2, "b0": b0}

def reference(edge_sh, edge_scalar, v2e_index, e2v_index, W1, ln_scale, ln_bias, W2, offset, Wl0, Wl1, Wl2, b0):
    he_index = v2e_index[1]
    # RadialProfile: Linear(no bias) -> LayerNorm -> SiLU -> Linear(no bias) + offset
    h = edge_scalar @ W1
    mu = jnp.mean(h, axis=-1, keepdims=True)
    var = jnp.var(h, axis=-1, keepdims=True)
    h = (h - mu) / jnp.sqrt(var + 1e-5) * ln_scale + ln_bias
    h = jax.nn.silu(h)
    edge_weight = h @ W2 + offset  # [E, C]
    # outer product channel x spherical-harmonic then flatten (channel-major)
    he = edge_weight[:, :, None] * edge_sh[:, None, :]  # [E, C, D]
    he = he.reshape(E, C * D)
    n_he = e2v_index.shape[1]
    # ScaledScatter: scatter-add over hyperedge index, scaled by sqrt(avg aggregate num)
    he = jax.ops.segment_sum(he, he_index, num_segments=n_he)
    he = he / jnp.sqrt(SCALE)
    # LinearRS over irreps (32x0e+32x1o+32x2e): per-l channel mixing, bias on scalars only
    he3 = he.reshape(n_he, C, D)
    x0 = he3[:, :, 0]
    x1 = he3[:, :, 1:4]
    x2 = he3[:, :, 4:9]
    y0 = x0 @ Wl0 / np.sqrt(C) + b0
    y1 = jnp.einsum('ncd,co->nod', x1, Wl1) / np.sqrt(C)
    y2 = jnp.einsum('ncd,co->nod', x2, Wl2) / np.sqrt(C)
    out = jnp.concatenate([y0, y1.reshape(n_he, C * 3), y2.reshape(n_he, C * 5)], axis=-1)
    return out

if __name__ == "__main__":
    import jax
    _d = setup_inputs()
    print(jax.jit(kernel)(*tuple(_d.values())))

</pallas_src>

<mosaic_0001>
#map = affine_map<(d0, d1) -> (0, 0)>
#map1 = affine_map<(d0, d1) -> (0)>
module attributes {stable_mosaic.version = 14 : i64} {
  func.func @_sc_scatter_body(%arg0: i32, %arg1: i32, %arg2: memref<288x160000xf32, #tpu.memory_space<hbm>>, %arg3: memref<160000xi32, #tpu.memory_space<hbm>>, %arg4: memref<288x16xf32, #tpu.memory_space<hbm>>, %arg5: memref<2880000xf32, #tpu.memory_space<hbm>>, %arg6: memref<10000xf32, #tpu.memory_space<vmem>>, %arg7: memref<10000xf32, #tpu.memory_space<vmem>>, %arg8: memref<10000xf32, #tpu.memory_space<vmem>>, %arg9: memref<10000xf32, #tpu.memory_space<vmem>>, %arg10: memref<10000xf32, #tpu.memory_space<vmem>>, %arg11: memref<10000xf32, #tpu.memory_space<vmem>>, %arg12: memref<10000xf32, #tpu.memory_space<vmem>>, %arg13: memref<10000xf32, #tpu.memory_space<vmem>>, %arg14: memref<10000xf32, #tpu.memory_space<vmem>>, %arg15: memref<2x9x1600xf32, #tpu.memory_space<vmem>>, %arg16: memref<2x1600xi32, #tpu.memory_space<vmem>>, %arg17: memref<9x16xf32, #tpu.memory_space<vmem>>, %arg18: memref<!tpu.dma_semaphore, #tpu.memory_space<semaphore_mem>>, %arg19: memref<!tpu.dma_semaphore, #tpu.memory_space<semaphore_mem>>) attributes {dimension_semantics = [#tpu.dimension_semantics<core_parallel>, #tpu.dimension_semantics<subcore_parallel>], iteration_bounds = array<i64: 2, 16>, scalar_prefetch = 0 : i64, scratch_operands = 14 : i64, tpu.core_type = #tpu.core_type<sc_vector_subcore>, window_params = [{transform_indices = #map}, {transform_indices = #map1}, {transform_indices = #map}, {transform_indices = #map1}]} {
    %mul3A = arith.constant 2 : i32
    %mul3A_0 = arith.muli %arg1, %mul3A : i32
    %add3A = arith.addi %mul3A_0, %arg0 : i32
    %mul3A_1 = arith.constant 9 : i32
    %mul3A_2 = arith.muli %add3A, %mul3A_1 : i32
    "tpu.region"() ({
      %run_scoped3A = tpu.sem_alloc : memref<!tpu.dma_semaphore, #tpu.memory_space<semaphore_mem>>
      %dma_start3A_190 = arith.constant 0 : i32
      %dma_start3A_191 = tpu.memref_slice %arg4[%mul3A_2, %dma_start3A_190] : memref<288x16xf32, #tpu.memory_space<hbm>> -> memref<9x16xf32, #tpu.memory_space<hbm>>
      %dma_start3A_192 = arith.constant 0 : i32
      %dma_start3A_193 = tpu.memref_slice %arg4[%mul3A_2, %dma_start3A_192] : memref<288x16xf32, #tpu.memory_space<hbm>> -> memref<9x16xf32, #tpu.memory_space<hbm>>
      tpu.enqueue_dma source(%dma_start3A_193 : memref<9x16xf32, #tpu.memory_space<hbm>>) target(%arg17 : memref<9x16xf32, #tpu.memory_space<vmem>>) target_semaphore(%run_scoped3A : memref<!tpu.dma_semaphore, #tpu.memory_space<semaphore_mem>>)
      %dma_wait3A = arith.constant 0 : i32
      %dma_wait3A_194 = tpu.memref_slice %arg4[%mul3A_2, %dma_wait3A] : memref<288x16xf32, #tpu.memory_space<hbm>> -> memref<9x16xf32, #tpu.memory_space<hbm>>
      %dma_wait3A_195 = arith.constant 0 : i32
      %dma_wait3A_196 = tpu.memref_slice %arg4[%mul3A_2, %dma_wait3A_195] : memref<288x16xf32, #tpu.memory_space<hbm>> -> memref<9x16xf32, #tpu.memory_space<hbm>>
      tpu.wait_dma2 semaphore(%run_scoped3A : memref<!tpu.dma_semaphore, #tpu.memory_space<semaphore_mem>>) src(%dma_wait3A_196 : memref<9x16xf32, #tpu.memory_space<hbm>>) dst(%arg17 : memref<9x16xf32, #tpu.memory_space<vmem>>)
      tpu.yield
    }) : () -> ()
    %get3A = arith.constant 0 : i32
    %get3A_3 = arith.index_cast %get3A : i32 to index
    %get3A_4 = arith.constant 0 : index
    %get3A_5 = tpu.vector_load %arg17[%get3A_3, %get3A_4] {strides = array<i32>} : memref<9x16xf32, #tpu.memory_space<vmem>>, vector<16xf32>,
    %scan3A = arith.constant 0 : i32
    %scan3A_6 = arith.constant 0 : i32
    %scan3A_7 = arith.constant 625 : i32
    %scan3A_8 = arith.addi %scan3A_6, %scan3A_7 : i32
    %scan3A_9 = arith.constant 1 : i32
    %scan3A_10 = scf.for %scan3A_190 = %scan3A_6 to %scan3A_8 step %scan3A_9 iter_args(%scan3A_191 = %scan3A) -> (i32)  : i32 {
      %mul3A_192 = arith.constant 16 : i32
      %mul3A_193 = arith.muli %scan3A_190, %mul3A_192 : i32
      %swap3A = arith.index_cast %mul3A_193 : i32 to index
      %swap3A_194 = tpu.vector_load %arg6[%swap3A] {strides = array<i32>} : memref<10000xf32, #tpu.memory_space<vmem>>, vector<16xf32>,
      tpu.vector_store %arg6[%swap3A], %get3A_5 {strides = array<i32>} : memref<10000xf32, #tpu.memory_space<vmem>>, vector<16xf32>,
      %scan3A_195 = arith.constant 0 : i32
      scf.yield %scan3A_195 : i32
    }
    %scan3A_11 = arith.constant 625 : i32
    %get3A_12 = arith.constant 1 : i32
    %get3A_13 = arith.index_cast %get3A_12 : i32 to index
    %get3A_14 = arith.constant 0 : index
    %get3A_15 = tpu.vector_load %arg17[%get3A_13, %get3A_14] {strides = array<i32>} : memref<9x16xf32, #tpu.memory_space<vmem>>, vector<16xf32>,
    %scan3A_16 = arith.constant 0 : i32
    %scan3A_17 = arith.constant 0 : i32
    %scan3A_18 = arith.constant 625 : i32
    %scan3A_19 = arith.addi %scan3A_17, %scan3A_18 : i32
    %scan3A_20 = arith.constant 1 : i32
    %scan3A_21 = scf.for %scan3A_190 = %scan3A_17 to %scan3A_19 step %scan3A_20 iter_args(%scan3A_191 = %scan3A_16) -> (i32)  : i32 {
      %mul3A_192 = arith.constant 16 : i32
      %mul3A_193 = arith.muli %scan3A_190, %mul3A_192 : i32
      %swap3A = arith.index_cast %mul3A_193 : i32 to index
      %swap3A_194 = tpu.vector_load %arg7[%swap3A] {strides = array<i32>} : memref<10000xf32, #tpu.memory_space<vmem>>, vector<16xf32>,
      tpu.vector_store %arg7[%swap3A], %get3A_15 {strides = array<i32>} : memref<10000xf32, #tpu.memory_space<vmem>>, vector<16xf32>,
      %scan3A_195 = arith.constant 0 : i32
      scf.yield %scan3A_195 : i32
    }
    %scan3A_22 = arith.constant 625 : i32
    %get3A_23 = arith.constant 2 : i32
    %get3A_24 = arith.index_cast %get3A_23 : i32 to index
    %get3A_25 = arith.constant 0 : index
    %get3A_26 = tpu.vector_load %arg17[%get3A_24, %get3A_25] {strides = array<i32>} : memref<9x16xf32, #tpu.memory_space<vmem>>, vector<16xf32>,
    %scan3A_27 = arith.constant 0 : i32
    %scan3A_28 = arith.constant 0 : i32
    %scan3A_29 = arith.constant 625 : i32
    %scan3A_30 = arith.addi %scan3A_28, %scan3A_29 : i32
    %scan3A_31 = arith.constant 1 : i32
    %scan3A_32 = scf.for %scan3A_190 = %scan3A_28 to %scan3A_30 step %scan3A_31 iter_args(%scan3A_191 = %scan3A_27) -> (i32)  : i32 {
      %mul3A_192 = arith.constant 16 : i32
      %mul3A_193 = arith.muli %scan3A_190, %mul3A_192 : i32
      %swap3A = arith.index_cast %mul3A_193 : i32 to index
      %swap3A_194 = tpu.vector_load %arg8[%swap3A] {strides = array<i32>} : memref<10000xf32, #tpu.memory_space<vmem>>, vector<16xf32>,
      tpu.vector_store %arg8[%swap3A], %get3A_26 {strides = array<i32>} : memref<10000xf32, #tpu.memory_space<vmem>>, vector<16xf32>,
      %scan3A_195 = arith.constant 0 : i32
      scf.yield %scan3A_195 : i32
    }
    %scan3A_33 = arith.constant 625 : i32
    %get3A_34 = arith.constant 3 : i32
    %get3A_35 = arith.index_cast %get3A_34 : i32 to index
    %get3A_36 = arith.constant 0 : index
    %get3A_37 = tpu.vector_load %arg17[%get3A_35, %get3A_36] {strides = array<i32>} : memref<9x16xf32, #tpu.memory_space<vmem>>, vector<16xf32>,
    %scan3A_38 = arith.constant 0 : i32
    %scan3A_39 = arith.constant 0 : i32
    %scan3A_40 = arith.constant 625 : i32
    %scan3A_41 = arith.addi %scan3A_39, %scan3A_40 : i32
    %scan3A_42 = arith.constant 1 : i32
    %scan3A_43 = scf.for %scan3A_190 = %scan3A_39 to %scan3A_41 step %scan3A_42 iter_args(%scan3A_191 = %scan3A_38) -> (i32)  : i32 {
      %mul3A_192 = arith.constant 16 : i32
      %mul3A_193 = arith.muli %scan3A_190, %mul3A_192 : i32
      %swap3A = arith.index_cast %mul3A_193 : i32 to index
      %swap3A_194 = tpu.vector_load %arg9[%swap3A] {strides = array<i32>} : memref<10000xf32, #tpu.memory_space<vmem>>, vector<16xf32>,
      tpu.vector_store %arg9[%swap3A], %get3A_37 {strides = array<i32>} : memref<10000xf32, #tpu.memory_space<vmem>>, vector<16xf32>,
      %scan3A_195 = arith.constant 0 : i32
      scf.yield %scan3A_195 : i32
    }
    %scan3A_44 = arith.constant 625 : i32
    %get3A_45 = arith.constant 4 : i32
    %get3A_46 = arith.index_cast %get3A_45 : i32 to index
    %get3A_47 = arith.constant 0 : index
    %get3A_48 = tpu.vector_load %arg17[%get3A_46, %get3A_47] {strides = array<i32>} : memref<9x16xf32, #tpu.memory_space<vmem>>, vector<16xf32>,
    %scan3A_49 = arith.constant 0 : i32
    %scan3A_50 = arith.constant 0 : i32
    %scan3A_51 = arith.constant 625 : i32
    %scan3A_52 = arith.addi %scan3A_50, %scan3A_51 : i32
    %scan3A_53 = arith.constant 1 : i32
    %scan3A_54 = scf.for %scan3A_190 = %scan3A_50 to %scan3A_52 step %scan3A_53 iter_args(%scan3A_191 = %scan3A_49) -> (i32)  : i32 {
      %mul3A_192 = arith.constant 16 : i32
      %mul3A_193 = arith.muli %scan3A_190, %mul3A_192 : i32
      %swap3A = arith.index_cast %mul3A_193 : i32 to index
      %swap3A_194 = tpu.vector_load %arg10[%swap3A] {strides = array<i32>} : memref<10000xf32, #tpu.memory_space<vmem>>, vector<16xf32>,
      tpu.vector_store %arg10[%swap3A], %get3A_48 {strides = array<i32>} : memref<10000xf32, #tpu.memory_space<vmem>>, vector<16xf32>,
      %scan3A_195 = arith.constant 0 : i32
      scf.yield %scan3A_195 : i32
    }
    %scan3A_55 = arith.constant 625 : i32
    %get3A_56 = arith.constant 5 : i32
    %get3A_57 = arith.index_cast %get3A_56 : i32 to index
    %get3A_58 = arith.constant 0 : index
    %get3A_59 = tpu.vector_load %arg17[%get3A_57, %get3A_58] {strides = array<i32>} : memref<9x16xf32, #tpu.memory_space<vmem>>, vector<16xf32>,
    %scan3A_60 = arith.constant 0 : i32
    %scan3A_61 = arith.constant 0 : i32
    %scan3A_62 = arith.constant 625 : i32
    %scan3A_63 = arith.addi %scan3A_61, %scan3A_62 : i32
    %scan3A_64 = arith.constant 1 : i32
    %scan3A_65 = scf.for %scan3A_190 = %scan3A_61 to %scan3A_63 step %scan3A_64 iter_args(%scan3A_191 = %scan3A_60) -> (i32)  : i32 {
      %mul3A_192 = arith.constant 16 : i32
      %mul3A_193 = arith.muli %scan3A_190, %mul3A_192 : i32
      %swap3A = arith.index_cast %mul3A_193 : i32 to index
      %swap3A_194 = tpu.vector_load %arg11[%swap3A] {strides = array<i32>} : memref<10000xf32, #tpu.memory_space<vmem>>, vector<16xf32>,
      tpu.vector_store %arg11[%swap3A], %get3A_59 {strides = array<i32>} : memref<10000xf32, #tpu.memory_space<vmem>>, vector<16xf32>,
      %scan3A_195 = arith.constant 0 : i32
      scf.yield %scan3A_195 : i32
    }
    %scan3A_66 = arith.constant 625 : i32
    %get3A_67 = arith.constant 6 : i32
    %get3A_68 = arith.index_cast %get3A_67 : i32 to index
    %get3A_69 = arith.constant 0 : index
    %get3A_70 = tpu.vector_load %arg17[%get3A_68, %get3A_69] {strides = array<i32>} : memref<9x16xf32, #tpu.memory_space<vmem>>, vector<16xf32>,
    %scan3A_71 = arith.constant 0 : i32
    %scan3A_72 = arith.constant 0 : i32
    %scan3A_73 = arith.constant 625 : i32
    %scan3A_74 = arith.addi %scan3A_72, %scan3A_73 : i32
    %scan3A_75 = arith.constant 1 : i32
    %scan3A_76 = scf.for %scan3A_190 = %scan3A_72 to %scan3A_74 step %scan3A_75 iter_args(%scan3A_191 = %scan3A_71) -> (i32)  : i32 {
      %mul3A_192 = arith.constant 16 : i32
      %mul3A_193 = arith.muli %scan3A_190, %mul3A_192 : i32
      %swap3A = arith.index_cast %mul3A_193 : i32 to index
      %swap3A_194 = tpu.vector_load %arg12[%swap3A] {strides = array<i32>} : memref<10000xf32, #tpu.memory_space<vmem>>, vector<16xf32>,
      tpu.vector_store %arg12[%swap3A], %get3A_70 {strides = array<i32>} : memref<10000xf32, #tpu.memory_space<vmem>>, vector<16xf32>,
      %scan3A_195 = arith.constant 0 : i32
      scf.yield %scan3A_195 : i32
    }
    %scan3A_77 = arith.constant 625 : i32
    %get3A_78 = arith.constant 7 : i32
    %get3A_79 = arith.index_cast %get3A_78 : i32 to index
    %get3A_80 = arith.constant 0 : index
    %get3A_81 = tpu.vector_load %arg17[%get3A_79, %get3A_80] {strides = array<i32>} : memref<9x16xf32, #tpu.memory_space<vmem>>, vector<16xf32>,
    %scan3A_82 = arith.constant 0 : i32
    %scan3A_83 = arith.constant 0 : i32
    %scan3A_84 = arith.constant 625 : i32
    %scan3A_85 = arith.addi %scan3A_83, %scan3A_84 : i32
    %scan3A_86 = arith.constant 1 : i32
    %scan3A_87 = scf.for %scan3A_190 = %scan3A_83 to %scan3A_85 step %scan3A_86 iter_args(%scan3A_191 = %scan3A_82) -> (i32)  : i32 {
      %mul3A_192 = arith.constant 16 : i32
      %mul3A_193 = arith.muli %scan3A_190, %mul3A_192 : i32
      %swap3A = arith.index_cast %mul3A_193 : i32 to index
      %swap3A_194 = tpu.vector_load %arg13[%swap3A] {strides = array<i32>} : memref<10000xf32, #tpu.memory_space<vmem>>, vector<16xf32>,
      tpu.vector_store %arg13[%swap3A], %get3A_81 {strides = array<i32>} : memref<10000xf32, #tpu.memory_space<vmem>>, vector<16xf32>,
      %scan3A_195 = arith.constant 0 : i32
      scf.yield %scan3A_195 : i32
    }
    %scan3A_88 = arith.constant 625 : i32
    %get3A_89 = arith.constant 8 : i32
    %get3A_90 = arith.index_cast %get3A_89 : i32 to index
    %get3A_91 = arith.constant 0 : index
    %get3A_92 = tpu.vector_load %arg17[%get3A_90, %get3A_91] {strides = array<i32>} : memref<9x16xf32, #tpu.memory_space<vmem>>, vector<16xf32>,
    %scan3A_93 = arith.constant 0 : i32
    %scan3A_94 = arith.constant 0 : i32
    %scan3A_95 = arith.constant 625 : i32
    %scan3A_96 = arith.addi %scan3A_94, %scan3A_95 : i32
    %scan3A_97 = arith.constant 1 : i32
    %scan3A_98 = scf.for %scan3A_190 = %scan3A_94 to %scan3A_96 step %scan3A_97 iter_args(%scan3A_191 = %scan3A_93) -> (i32)  : i32 {
      %mul3A_192 = arith.constant 16 : i32
      %mul3A_193 = arith.muli %scan3A_190, %mul3A_192 : i32
      %swap3A = arith.index_cast %mul3A_193 : i32 to index
      %swap3A_194 = tpu.vector_load %arg14[%swap3A] {strides = array<i32>} : memref<10000xf32, #tpu.memory_space<vmem>>, vector<16xf32>,
      tpu.vector_store %arg14[%swap3A], %get3A_92 {strides = array<i32>} : memref<10000xf32, #tpu.memory_space<vmem>>, vector<16xf32>,
      %scan3A_195 = arith.constant 0 : i32
      scf.yield %scan3A_195 : i32
    }
    %scan3A_99 = arith.constant 625 : i32
    %dma_start3A = arith.constant 0 : i32
    %dma_start3A_100 = arith.constant 0 : i32
    %dma_start3A_101 = arith.constant 0 : i32
    %dma_start3A_102 = tpu.memref_slice %arg15[%dma_start3A, %dma_start3A_100, %dma_start3A_101] : memref<2x9x1600xf32, #tpu.memory_space<vmem>> -> memref<1x9x1600xf32, #tpu.memory_space<vmem>>
    %dma_start3A_103 = tpu.memref_squeeze %dma_start3A_102 : memref<1x9x1600xf32, #tpu.memory_space<vmem>> -> memref<9x1600xf32, #tpu.memory_space<vmem>>
    %dma_start3A_104 = arith.constant 0 : i32
    %dma_start3A_105 = tpu.memref_slice %arg2[%mul3A_2, %dma_start3A_104] : memref<288x160000xf32, #tpu.memory_space<hbm>> -> memref<9x1600xf32, #tpu.memory_space<hbm>>
    %dma_start3A_106 = arith.constant 0 : i32
    %dma_start3A_107 = arith.constant 0 : i32
    %dma_start3A_108 = tpu.memref_slice %arg15[%dma_start3A, %dma_start3A_106, %dma_start3A_107] : memref<2x9x1600xf32, #tpu.memory_space<vmem>> -> memref<1x9x1600xf32, #tpu.memory_space<vmem>>
    %dma_start3A_109 = tpu.memref_squeeze %dma_start3A_108 : memref<1x9x1600xf32, #tpu.memory_space<vmem>> -> memref<9x1600xf32, #tpu.memory_space<vmem>>
    %dma_start3A_110 = arith.constant 0 : i32
    %dma_start3A_111 = tpu.memref_slice %arg2[%mul3A_2, %dma_start3A_110] : memref<288x160000xf32, #tpu.memory_space<hbm>> -> memref<9x1600xf32, #tpu.memory_space<hbm>>
    tpu.enqueue_dma source(%dma_start3A_111 : memref<9x1600xf32, #tpu.memory_space<hbm>>) target(%dma_start3A_109 : memref<9x1600xf32, #tpu.memory_space<vmem>>) target_semaphore(%arg18 : memref<!tpu.dma_semaphore, #tpu.memory_space<semaphore_mem>>)
    %dma_start3A_112 = arith.constant 0 : i32
    %dma_start3A_113 = arith.constant 0 : i32
    %dma_start3A_114 = tpu.memref_slice %arg16[%dma_start3A_112, %dma_start3A_113] : memref<2x1600xi32, #tpu.memory_space<vmem>> -> memref<1x1600xi32, #tpu.memory_space<vmem>>
    %dma_start3A_115 = tpu.memref_squeeze %dma_start3A_114 : memref<1x1600xi32, #tpu.memory_space<vmem>> -> memref<1600xi32, #tpu.memory_space<vmem>>
    %dma_start3A_116 = arith.constant 0 : i32
    %dma_start3A_117 = tpu.memref_slice %arg3[%dma_start3A_116] : memref<160000xi32, #tpu.memory_space<hbm>> -> memref<1600xi32, #tpu.memory_space<hbm>>
    %dma_start3A_118 = arith.constant 0 : i32
    %dma_start3A_119 = tpu.memref_slice %arg16[%dma_start3A_112, %dma_start3A_118] : memref<2x1600xi32, #tpu.memory_space<vmem>> -> memref<1x1600xi32, #tpu.memory_space<vmem>>
    %dma_start3A_120 = tpu.memref_squeeze %dma_start3A_119 : memref<1x1600xi32, #tpu.memory_space<vmem>> -> memref<1600xi32, #tpu.memory_space<vmem>>
    %dma_start3A_121 = arith.constant 0 : i32
    %dma_start3A_122 = tpu.memref_slice %arg3[%dma_start3A_121] : memref<160000xi32, #tpu.memory_space<hbm>> -> memref<1600xi32, #tpu.memory_space<hbm>>
    tpu.enqueue_dma source(%dma_start3A_122 : memref<1600xi32, #tpu.memory_space<hbm>>) target(%dma_start3A_120 : memref<1600xi32, #tpu.memory_space<vmem>>) target_semaphore(%arg18 : memref<!tpu.dma_semaphore, #tpu.memory_space<semaphore_mem>>)
    %dma_start3A_123 = arith.constant 1 : i32
    %dma_start3A_124 = arith.constant 0 : i32
    %dma_start3A_125 = arith.constant 0 : i32
    %dma_start3A_126 = tpu.memref_slice %arg15[%dma_start3A_123, %dma_start3A_124, %dma_start3A_125] : memref<2x9x1600xf32, #tpu.memory_space<vmem>> -> memref<1x9x1600xf32, #tpu.memory_space<vmem>>
    %dma_start3A_127 = tpu.memref_squeeze %dma_start3A_126 : memref<1x9x1600xf32, #tpu.memory_space<vmem>> -> memref<9x1600xf32, #tpu.memory_space<vmem>>
    %dma_start3A_128 = arith.constant 1600 : i32
    %dma_start3A_129 = tpu.memref_slice %arg2[%mul3A_2, %dma_start3A_128] : memref<288x160000xf32, #tpu.memory_space<hbm>> -> memref<9x1600xf32, #tpu.memory_space<hbm>>
    %dma_start3A_130 = arith.constant 0 : i32
    %dma_start3A_131 = arith.constant 0 : i32
    %dma_start3A_132 = tpu.memref_slice %arg15[%dma_start3A_123, %dma_start3A_130, %dma_start3A_131] : memref<2x9x1600xf32, #tpu.memory_space<vmem>> -> memref<1x9x1600xf32, #tpu.memory_space<vmem>>
    %dma_start3A_133 = tpu.memref_squeeze %dma_start3A_132 : memref<1x9x1600xf32, #tpu.memory_space<vmem>> -> memref<9x1600xf32, #tpu.memory_space<vmem>>
    %dma_start3A_134 = arith.constant 1600 : i32
    %dma_start3A_135 = tpu.memref_slice %arg2[%mul3A_2, %dma_start3A_134] : memref<288x160000xf32, #tpu.memory_space<hbm>> -> memref<9x1600xf32, #tpu.memory_space<hbm>>
    tpu.enqueue_dma source(%dma_start3A_135 : memref<9x1600xf32, #tpu.memory_space<hbm>>) target(%dma_start3A_133 : memref<9x1600xf32, #tpu.memory_space<vmem>>) target_semaphore(%arg19 : memref<!tpu.dma_semaphore, #tpu.memory_space<semaphore_mem>>)
    %dma_start3A_136 = arith.constant 1 : i32
    %dma_start3A_137 = arith.constant 0 : i32
    %dma_start3A_138 = tpu.memref_slice %arg16[%dma_start3A_136, %dma_start3A_137] : memref<2x1600xi32, #tpu.memory_space<vmem>> -> memref<1x1600xi32, #tpu.memory_space<vmem>>
    %dma_start3A_139 = tpu.memref_squeeze %dma_start3A_138 : memref<1x1600xi32, #tpu.memory_space<vmem>> -> memref<1600xi32, #tpu.memory_space<vmem>>
    %dma_start3A_140 = arith.constant 1600 : i32
    %dma_start3A_141 = tpu.memref_slice %arg3[%dma_start3A_140] : memref<160000xi32, #tpu.memory_space<hbm>> -> memref<1600xi32, #tpu.memory_space<hbm>>
    %dma_start3A_142 = arith.constant 0 : i32
    %dma_start3A_143 = tpu.memref_slice %arg16[%dma_start3A_136, %dma_start3A_142] : memref<2x1600xi32, #tpu.memory_space<vmem>> -> memref<1x1600xi32, #tpu.memory_space<vmem>>
    %dma_start3A_144 = tpu.memref_squeeze %dma_start3A_143 : memref<1x1600xi32, #tpu.memory_space<vmem>> -> memref<1600xi32, #tpu.memory_space<vmem>>
    %dma_start3A_145 = arith.constant 1600 : i32
    %dma_start3A_146 = tpu.memref_slice %arg3[%dma_start3A_145] : memref<160000xi32, #tpu.memory_space<hbm>> -> memref<1600xi32, #tpu.memory_space<hbm>>
    tpu.enqueue_dma source(%dma_start3A_146 : memref<1600xi32, #tpu.memory_space<hbm>>) target(%dma_start3A_144 : memref<1600xi32, #tpu.memory_space<vmem>>) target_semaphore(%arg19 : memref<!tpu.dma_semaphore, #tpu.memory_space<semaphore_mem>>)
    %scan3A_147 = arith.constant 0 : i32
    %scan3A_148 = arith.constant 0 : i32
    %scan3A_149 = arith.constant 50 : i32
    %scan3A_150 = arith.addi %scan3A_148, %scan3A_149 : i32
    %scan3A_151 = arith.constant 1 : i32
    %scan3A_152 = scf.for %scan3A_190 = %scan3A_148 to %scan3A_150 step %scan3A_151 iter_args(%scan3A_191 = %scan3A_147) -> (i32)  : i32 {
      %dma_wait3A = arith.constant 0 : i32
      %dma_wait3A_192 = arith.constant 0 : i32
      %dma_wait3A_193 = arith.constant 0 : i32
      %dma_wait3A_194 = tpu.memref_slice %arg15[%dma_wait3A, %dma_wait3A_192, %dma_wait3A_193] : memref<2x9x1600xf32, #tpu.memory_space<vmem>> -> memref<1x9x1600xf32, #tpu.memory_space<vmem>>
      %dma_wait3A_195 = tpu.memref_squeeze %dma_wait3A_194 : memref<1x9x1600xf32, #tpu.memory_space<vmem>> -> memref<9x1600xf32, #tpu.memory_space<vmem>>
      %dma_wait3A_196 = arith.constant 0 : i32
      %dma_wait3A_197 = tpu.memref_slice %arg2[%mul3A_2, %dma_wait3A_196] : memref<288x160000xf32, #tpu.memory_space<hbm>> -> memref<9x1600xf32, #tpu.memory_space<hbm>>
      %dma_wait3A_198 = arith.constant 0 : i32
      %dma_wait3A_199 = arith.constant 0 : i32
      %dma_wait3A_200 = tpu.memref_slice %arg15[%dma_wait3A, %dma_wait3A_198, %dma_wait3A_199] : memref<2x9x1600xf32, #tpu.memory_space<vmem>> -> memref<1x9x1600xf32, #tpu.memory_space<vmem>>
      %dma_wait3A_201 = tpu.memref_squeeze %dma_wait3A_200 : memref<1x9x1600xf32, #tpu.memory_space<vmem>> -> memref<9x1600xf32, #tpu.memory_space<vmem>>
      %dma_wait3A_202 = arith.constant 0 : i32
      %dma_wait3A_203 = tpu.memref_slice %arg2[%mul3A_2, %dma_wait3A_202] : memref<288x160000xf32, #tpu.memory_space<hbm>> -> memref<9x1600xf32, #tpu.memory_space<hbm>>
      tpu.wait_dma2 semaphore(%arg18 : memref<!tpu.dma_semaphore, #tpu.memory_space<semaphore_mem>>) src(%dma_wait3A_203 : memref<9x1600xf32, #tpu.memory_space<hbm>>) dst(%dma_wait3A_201 : memref<9x1600xf32, #tpu.memory_space<vmem>>)
      %dma_wait3A_204 = arith.constant 0 : i32
      %dma_wait3A_205 = arith.constant 0 : i32
      %dma_wait3A_206 = tpu.memref_slice %arg16[%dma_wait3A_204, %dma_wait3A_205] : memref<2x1600xi32, #tpu.memory_space<vmem>> -> memref<1x1600xi32, #tpu.memory_space<vmem>>
      %dma_wait3A_207 = tpu.memref_squeeze %dma_wait3A_206 : memref<1x1600xi32, #tpu.memory_space<vmem>> -> memref<1600xi32, #tpu.memory_space<vmem>>
      %dma_wait3A_208 = arith.constant 0 : i32
      %dma_wait3A_209 = tpu.memref_slice %arg3[%dma_wait3A_208] : memref<160000xi32, #tpu.memory_space<hbm>> -> memref<1600xi32, #tpu.memory_space<hbm>>
      %dma_wait3A_210 = arith.constant 0 : i32
      %dma_wait3A_211 = tpu.memref_slice %arg16[%dma_wait3A_204, %dma_wait3A_210] : memref<2x1600xi32, #tpu.memory_space<vmem>> -> memref<1x1600xi32, #tpu.memory_space<vmem>>
      %dma_wait3A_212 = tpu.memref_squeeze %dma_wait3A_211 : memref<1x1600xi32, #tpu.memory_space<vmem>> -> memref<1600xi32, #tpu.memory_space<vmem>>
      %dma_wait3A_213 = arith.constant 0 : i32
      %dma_wait3A_214 = tpu.memref_slice %arg3[%dma_wait3A_213] : memref<160000xi32, #tpu.memory_space<hbm>> -> memref<1600xi32, #tpu.memory_space<hbm>>
      tpu.wait_dma2 semaphore(%arg18 : memref<!tpu.dma_semaphore, #tpu.memory_space<semaphore_mem>>) src(%dma_wait3A_214 : memref<1600xi32, #tpu.memory_space<hbm>>) dst(%dma_wait3A_212 : memref<1600xi32, #tpu.memory_space<vmem>>)
      %parallel_loop3A = arith.constant 0 : i32
      %parallel_loop3A_215 = arith.constant 100 : i32
      %parallel_loop3A_216 = arith.constant 1 : i32
      scf.for %parallel_loop3A_264 = %parallel_loop3A to %parallel_loop3A_215 step %parallel_loop3A_216  : i32 {
        %parallel_loop3A_265 = arith.constant 16 : i32
        %parallel_loop3A_266 = arith.muli %parallel_loop3A_264, %parallel_loop3A_265 : i32
        %parallel_loop3A_267 = arith.constant 0 : i32
        %parallel_loop3A_268 = arith.index_cast %parallel_loop3A_267 : i32 to index
        %parallel_loop3A_269 = arith.index_cast %parallel_loop3A_266 : i32 to index
        %parallel_loop3A_270 = tpu.vector_load %arg16[%parallel_loop3A_268, %parallel_loop3A_269] {strides = array<i32>} : memref<2x1600xi32, #tpu.memory_space<vmem>>, vector<16xi32>,
        %parallel_loop3A_271 = arith.constant 0 : i32
        %parallel_loop3A_272 = arith.constant 0 : i32
        %parallel_loop3A_273 = arith.index_cast %parallel_loop3A_271 : i32 to index
        %parallel_loop3A_274 = arith.index_cast %parallel_loop3A_272 : i32 to index
        %parallel_loop3A_275 = arith.index_cast %parallel_loop3A_266 : i32 to index
        %parallel_loop3A_276 = tpu.vector_load %arg15[%parallel_loop3A_273, %parallel_loop3A_274, %parallel_loop3A_275] {strides = array<i32>} : memref<2x9x1600xf32, #tpu.memory_space<vmem>>, vector<16xf32>,
        tpu.vector_store_idx %arg6[%parallel_loop3A_270], %parallel_loop3A_276 {add = true} : memref<10000xf32, #tpu.memory_space<vmem>>[vector<16xi32>], vector<16xf32>,
        %parallel_loop3A_277 = arith.constant 0 : i32
        %parallel_loop3A_278 = arith.constant 1 : i32
        %parallel_loop3A_279 = arith.index_cast %parallel_loop3A_277 : i32 to index
        %parallel_loop3A_280 = arith.index_cast %parallel_loop3A_278 : i32 to index
        %parallel_loop3A_281 = arith.index_cast %parallel_loop3A_266 : i32 to index
        %parallel_loop3A_282 = tpu.vector_load %arg15[%parallel_loop3A_279, %parallel_loop3A_280, %parallel_loop3A_281] {strides = array<i32>} : memref<2x9x1600xf32, #tpu.memory_space<vmem>>, vector<16xf32>,
        tpu.vector_store_idx %arg7[%parallel_loop3A_270], %parallel_loop3A_282 {add = true} : memref<10000xf32, #tpu.memory_space<vmem>>[vector<16xi32>], vector<16xf32>,
        %parallel_loop3A_283 = arith.constant 0 : i32
        %parallel_loop3A_284 = arith.constant 2 : i32
        %parallel_loop3A_285 = arith.index_cast %parallel_loop3A_283 : i32 to index
        %parallel_loop3A_286 = arith.index_cast %parallel_loop3A_284 : i32 to index
        %parallel_loop3A_287 = arith.index_cast %parallel_loop3A_266 : i32 to index
        %parallel_loop3A_288 = tpu.vector_load %arg15[%parallel_loop3A_285, %parallel_loop3A_286, %parallel_loop3A_287] {strides = array<i32>} : memref<2x9x1600xf32, #tpu.memory_space<vmem>>, vector<16xf32>,
        tpu.vector_store_idx %arg8[%parallel_loop3A_270], %parallel_loop3A_288 {add = true} : memref<10000xf32, #tpu.memory_space<vmem>>[vector<16xi32>], vector<16xf32>,
        %parallel_loop3A_289 = arith.constant 0 : i32
        %parallel_loop3A_290 = arith.constant 3 : i32
        %parallel_loop3A_291 = arith.index_cast %parallel_loop3A_289 : i32 to index
        %parallel_loop3A_292 = arith.index_cast %parallel_loop3A_290 : i32 to index
        %parallel_loop3A_293 = arith.index_cast %parallel_loop3A_266 : i32 to index
        %parallel_loop3A_294 = tpu.vector_load %arg15[%parallel_loop3A_291, %parallel_loop3A_292, %parallel_loop3A_293] {strides = array<i32>} : memref<2x9x1600xf32, #tpu.memory_space<vmem>>, vector<16xf32>,
        tpu.vector_store_idx %arg9[%parallel_loop3A_270], %parallel_loop3A_294 {add = true} : memref<10000xf32, #tpu.memory_space<vmem>>[vector<16xi32>], vector<16xf32>,
        %parallel_loop3A_295 = arith.constant 0 : i32
        %parallel_loop3A_296 = arith.constant 4 : i32
        %parallel_loop3A_297 = arith.index_cast %parallel_loop3A_295 : i32 to index
        %parallel_loop3A_298 = arith.index_cast %parallel_loop3A_296 : i32 to index
        %parallel_loop3A_299 = arith.index_cast %parallel_loop3A_266 : i32 to index
        %parallel_loop3A_300 = tpu.vector_load %arg15[%parallel_loop3A_297, %parallel_loop3A_298, %parallel_loop3A_299] {strides = array<i32>} : memref<2x9x1600xf32, #tpu.memory_space<vmem>>, vector<16xf32>,
        tpu.vector_store_idx %arg10[%parallel_loop3A_270], %parallel_loop3A_300 {add = true} : memref<10000xf32, #tpu.memory_space<vmem>>[vector<16xi32>], vector<16xf32>,
        %parallel_loop3A_301 = arith.constant 0 : i32
        %parallel_loop3A_302 = arith.constant 5 : i32
        %parallel_loop3A_303 = arith.index_cast %parallel_loop3A_301 : i32 to index
        %parallel_loop3A_304 = arith.index_cast %parallel_loop3A_302 : i32 to index
        %parallel_loop3A_305 = arith.index_cast %parallel_loop3A_266 : i32 to index
        %parallel_loop3A_306 = tpu.vector_load %arg15[%parallel_loop3A_303, %parallel_loop3A_304, %parallel_loop3A_305] {strides = array<i32>} : memref<2x9x1600xf32, #tpu.memory_space<vmem>>, vector<16xf32>,
        tpu.vector_store_idx %arg11[%parallel_loop3A_270], %parallel_loop3A_306 {add = true} : memref<10000xf32, #tpu.memory_space<vmem>>[vector<16xi32>], vector<16xf32>,
        %parallel_loop3A_307 = arith.constant 0 : i32
        %parallel_loop3A_308 = arith.constant 6 : i32
        %parallel_loop3A_309 = arith.index_cast %parallel_loop3A_307 : i32 to index
        %parallel_loop3A_310 = arith.index_cast %parallel_loop3A_308 : i32 to index
        %parallel_loop3A_311 = arith.index_cast %parallel_loop3A_266 : i32 to index
        %parallel_loop3A_312 = tpu.vector_load %arg15[%parallel_loop3A_309, %parallel_loop3A_310, %parallel_loop3A_311] {strides = array<i32>} : memref<2x9x1600xf32, #tpu.memory_space<vmem>>, vector<16xf32>,
        tpu.vector_store_idx %arg12[%parallel_loop3A_270], %parallel_loop3A_312 {add = true} : memref<10000xf32, #tpu.memory_space<vmem>>[vector<16xi32>], vector<16xf32>,
        %parallel_loop3A_313 = arith.constant 0 : i32
        %parallel_loop3A_314 = arith.constant 7 : i32
        %parallel_loop3A_315 = arith.index_cast %parallel_loop3A_313 : i32 to index
        %parallel_loop3A_316 = arith.index_cast %parallel_loop3A_314 : i32 to index
        %parallel_loop3A_317 = arith.index_cast %parallel_loop3A_266 : i32 to index
        %parallel_loop3A_318 = tpu.vector_load %arg15[%parallel_loop3A_315, %parallel_loop3A_316, %parallel_loop3A_317] {strides = array<i32>} : memref<2x9x1600xf32, #tpu.memory_space<vmem>>, vector<16xf32>,
        tpu.vector_store_idx %arg13[%parallel_loop3A_270], %parallel_loop3A_318 {add = true} : memref<10000xf32, #tpu.memory_space<vmem>>[vector<16xi32>], vector<16xf32>,
        %parallel_loop3A_319 = arith.constant 0 : i32
        %parallel_loop3A_320 = arith.constant 8 : i32
        %parallel_loop3A_321 = arith.index_cast %parallel_loop3A_319 : i32 to index
        %parallel_loop3A_322 = arith.index_cast %parallel_loop3A_320 : i32 to index
        %parallel_loop3A_323 = arith.index_cast %parallel_loop3A_266 : i32 to index
        %parallel_loop3A_324 = tpu.vector_load %arg15[%parallel_loop3A_321, %parallel_loop3A_322, %parallel_loop3A_323] {strides = array<i32>} : memref<2x9x1600xf32, #tpu.memory_space<vmem>>, vector<16xf32>,
        tpu.vector_store_idx %arg14[%parallel_loop3A_270], %parallel_loop3A_324 {add = true} : memref<10000xf32, #tpu.memory_space<vmem>>[vector<16xi32>], vector<16xf32>,
      } {sc.loop_unroll_factor = 4 : i64, sc.parallel_access}
      %mul3A_217 = arith.constant 2 : i32
      %mul3A_218 = arith.muli %scan3A_190, %mul3A_217 : i32
      %add3A_219 = arith.constant 0 : i32
      %add3A_220 = arith.addi %mul3A_218, %add3A_219 : i32
      %add3A_221 = arith.constant 2 : i32
      %add3A_222 = arith.addi %add3A_220, %add3A_221 : i32
      %lt3A = arith.constant 100 : i32
      %lt3A_223 = arith.cmpi slt, %add3A_222, %lt3A : i32
      %convert_element_type3A = arith.extui %lt3A_223 : i1 to i32
      %cond3A = arith.constant 0 : i32
      %cond3A_224 = arith.cmpi ne, %convert_element_type3A, %cond3A : i32
      scf.if %cond3A_224 {
        %mul3A_264 = arith.constant 1600 : i32
        %mul3A_265 = arith.muli %add3A_222, %mul3A_264 : i32
        %dma_start3A_266 = arith.constant 0 : i32
        %dma_start3A_267 = arith.constant 0 : i32
        %dma_start3A_268 = arith.constant 0 : i32
        %dma_start3A_269 = tpu.memref_slice %arg15[%dma_start3A_266, %dma_start3A_267, %dma_start3A_268] : memref<2x9x1600xf32, #tpu.memory_space<vmem>> -> memref<1x9x1600xf32, #tpu.memory_space<vmem>>
        %dma_start3A_270 = tpu.memref_squeeze %dma_start3A_269 : memref<1x9x1600xf32, #tpu.memory_space<vmem>> -> memref<9x1600xf32, #tpu.memory_space<vmem>>
        %dma_start3A_271 = tpu.memref_slice %arg2[%mul3A_2, %mul3A_265] : memref<288x160000xf32, #tpu.memory_space<hbm>> -> memref<9x1600xf32, #tpu.memory_space<hbm>>
        %dma_start3A_272 = arith.constant 0 : i32
        %dma_start3A_273 = arith.constant 0 : i32
        %dma_start3A_274 = tpu.memref_slice %arg15[%dma_start3A_266, %dma_start3A_272, %dma_start3A_273] : memref<2x9x1600xf32, #tpu.memory_space<vmem>> -> memref<1x9x1600xf32, #tpu.memory_space<vmem>>
        %dma_start3A_275 = tpu.memref_squeeze %dma_start3A_274 : memref<1x9x1600xf32, #tpu.memory_space<vmem>> -> memref<9x1600xf32, #tpu.memory_space<vmem>>
        %dma_start3A_276 = tpu.memref_slice %arg2[%mul3A_2, %mul3A_265] : memref<288x160000xf32, #tpu.memory_space<hbm>> -> memref<9x1600xf32, #tpu.memory_space<hbm>>
        tpu.enqueue_dma source(%dma_start3A_276 : memref<9x1600xf32, #tpu.memory_space<hbm>>) target(%dma_start3A_275 : memref<9x1600xf32, #tpu.memory_space<vmem>>) target_semaphore(%arg18 : memref<!tpu.dma_semaphore, #tpu.memory_space<semaphore_mem>>)
        %mul3A_277 = arith.constant 1600 : i32
        %mul3A_278 = arith.muli %add3A_222, %mul3A_277 : i32
        %dma_start3A_279 = arith.constant 0 : i32
        %dma_start3A_280 = arith.constant 0 : i32
        %dma_start3A_281 = tpu.memref_slice %arg16[%dma_start3A_279, %dma_start3A_280] : memref<2x1600xi32, #tpu.memory_space<vmem>> -> memref<1x1600xi32, #tpu.memory_space<vmem>>
        %dma_start3A_282 = tpu.memref_squeeze %dma_start3A_281 : memref<1x1600xi32, #tpu.memory_space<vmem>> -> memref<1600xi32, #tpu.memory_space<vmem>>
        %dma_start3A_283 = tpu.memref_slice %arg3[%mul3A_278] : memref<160000xi32, #tpu.memory_space<hbm>> -> memref<1600xi32, #tpu.memory_space<hbm>>
        %dma_start3A_284 = arith.constant 0 : i32
        %dma_start3A_285 = tpu.memref_slice %arg16[%dma_start3A_279, %dma_start3A_284] : memref<2x1600xi32, #tpu.memory_space<vmem>> -> memref<1x1600xi32, #tpu.memory_space<vmem>>
        %dma_start3A_286 = tpu.memref_squeeze %dma_start3A_285 : memref<1x1600xi32, #tpu.memory_space<vmem>> -> memref<1600xi32, #tpu.memory_space<vmem>>
        %dma_start3A_287 = tpu.memref_slice %arg3[%mul3A_278] : memref<160000xi32, #tpu.memory_space<hbm>> -> memref<1600xi32, #tpu.memory_space<hbm>>
        tpu.enqueue_dma source(%dma_start3A_287 : memref<1600xi32, #tpu.memory_space<hbm>>) target(%dma_start3A_286 : memref<1600xi32, #tpu.memory_space<vmem>>) target_semaphore(%arg18 : memref<!tpu.dma_semaphore, #tpu.memory_space<semaphore_mem>>)
      } else {
      }
      %dma_wait3A_225 = arith.constant 1 : i32
      %dma_wait3A_226 = arith.constant 0 : i32
      %dma_wait3A_227 = arith.constant 0 : i32
      %dma_wait3A_228 = tpu.memref_slice %arg15[%dma_wait3A_225, %dma_wait3A_226, %dma_wait3A_227] : memref<2x9x1600xf32, #tpu.memory_space<vmem>> -> memref<1x9x1600xf32, #tpu.memory_space<vmem>>
      %dma_wait3A_229 = tpu.memref_squeeze %dma_wait3A_228 : memref<1x9x1600xf32, #tpu.memory_space<vmem>> -> memref<9x1600xf32, #tpu.memory_space<vmem>>
      %dma_wait3A_230 = arith.constant 0 : i32
      %dma_wait3A_231 = tpu.memref_slice %arg2[%mul3A_2, %dma_wait3A_230] : memref<288x160000xf32, #tpu.memory_space<hbm>> -> memref<9x1600xf32, #tpu.memory_space<hbm>>
      %dma_wait3A_232 = arith.constant 0 : i32
      %dma_wait3A_233 = arith.constant 0 : i32
      %dma_wait3A_234 = tpu.memref_slice %arg15[%dma_wait3A_225, %dma_wait3A_232, %dma_wait3A_233] : memref<2x9x1600xf32, #tpu.memory_space<vmem>> -> memref<1x9x1600xf32, #tpu.memory_space<vmem>>
      %dma_wait3A_235 = tpu.memref_squeeze %dma_wait3A_234 : memref<1x9x1600xf32, #tpu.memory_space<vmem>> -> memref<9x1600xf32, #tpu.memory_space<vmem>>
      %dma_wait3A_236 = arith.constant 0 : i32
      %dma_wait3A_237 = tpu.memref_slice %arg2[%mul3A_2, %dma_wait3A_236] : memref<288x160000xf32, #tpu.memory_space<hbm>> -> memref<9x1600xf32, #tpu.memory_space<hbm>>
      tpu.wait_dma2 semaphore(%arg19 : memref<!tpu.dma_semaphore, #tpu.memory_space<semaphore_mem>>) src(%dma_wait3A_237 : memref<9x1600xf32, #tpu.memory_space<hbm>>) dst(%dma_wait3A_235 : memref<9x1600xf32, #tpu.memory_space<vmem>>)
      %dma_wait3A_238 = arith.constant 1 : i32
      %dma_wait3A_239 = arith.constant 0 : i32
      %dma_wait3A_240 = tpu.memref_slice %arg16[%dma_wait3A_238, %dma_wait3A_239] : memref<2x1600xi32, #tpu.memory_space<vmem>> -> memref<1x1600xi32, #tpu.memory_space<vmem>>
      %dma_wait3A_241 = tpu.memref_squeeze %dma_wait3A_240 : memref<1x1600xi32, #tpu.memory_space<vmem>> -> memref<1600xi32, #tpu.memory_space<vmem>>
      %dma_wait3A_242 = arith.constant 0 : i32
      %dma_wait3A_243 = tpu.memref_slice %arg3[%dma_wait3A_242] : memref<160000xi32, #tpu.memory_space<hbm>> -> memref<1600xi32, #tpu.memory_space<hbm>>
      %dma_wait3A_244 = arith.constant 0 : i32
      %dma_wait3A_245 = tpu.memref_slice %arg16[%dma_wait3A_238, %dma_wait3A_244] : memref<2x1600xi32, #tpu.memory_space<vmem>> -> memref<1x1600xi32, #tpu.memory_space<vmem>>
      %dma_wait3A_246 = tpu.memref_squeeze %dma_wait3A_245 : memref<1x1600xi32, #tpu.memory_space<vmem>> -> memref<1600xi32, #tpu.memory_space<vmem>>
      %dma_wait3A_247 = arith.constant 0 : i32
      %dma_wait3A_248 = tpu.memref_slice %arg3[%dma_wait3A_247] : memref<160000xi32, #tpu.memory_space<hbm>> -> memref<1600xi32, #tpu.memory_space<hbm>>
      tpu.wait_dma2 semaphore(%arg19 : memref<!tpu.dma_semaphore, #tpu.memory_space<semaphore_mem>>) src(%dma_wait3A_248 : memref<1600xi32, #tpu.memory_space<hbm>>) dst(%dma_wait3A_246 : memref<1600xi32, #tpu.memory_space<vmem>>)
      %parallel_loop3A_249 = arith.constant 0 : i32
      %parallel_loop3A_250 = arith.constant 100 : i32
      %parallel_loop3A_251 = arith.constant 1 : i32
      scf.for %parallel_loop3A_264 = %parallel_loop3A_249 to %parallel_loop3A_250 step %parallel_loop3A_251  : i32 {
        %parallel_loop3A_265 = arith.constant 16 : i32
        %parallel_loop3A_266 = arith.muli %parallel_loop3A_264, %parallel_loop3A_265 : i32
        %parallel_loop3A_267 = arith.constant 1 : i32
        %parallel_loop3A_268 = arith.index_cast %parallel_loop3A_267 : i32 to index
        %parallel_loop3A_269 = arith.index_cast %parallel_loop3A_266 : i32 to index
        %parallel_loop3A_270 = tpu.vector_load %arg16[%parallel_loop3A_268, %parallel_loop3A_269] {strides = array<i32>} : memref<2x1600xi32, #tpu.memory_space<vmem>>, vector<16xi32>,
        %parallel_loop3A_271 = arith.constant 1 : i32
        %parallel_loop3A_272 = arith.constant 0 : i32
        %parallel_loop3A_273 = arith.index_cast %parallel_loop3A_271 : i32 to index
        %parallel_loop3A_274 = arith.index_cast %parallel_loop3A_272 : i32 to index
        %parallel_loop3A_275 = arith.index_cast %parallel_loop3A_266 : i32 to index
        %parallel_loop3A_276 = tpu.vector_load %arg15[%parallel_loop3A_273, %parallel_loop3A_274, %parallel_loop3A_275] {strides = array<i32>} : memref<2x9x1600xf32, #tpu.memory_space<vmem>>, vector<16xf32>,
        tpu.vector_store_idx %arg6[%parallel_loop3A_270], %parallel_loop3A_276 {add = true} : memref<10000xf32, #tpu.memory_space<vmem>>[vector<16xi32>], vector<16xf32>,
        %parallel_loop3A_277 = arith.constant 1 : i32
        %parallel_loop3A_278 = arith.constant 1 : i32
        %parallel_loop3A_279 = arith.index_cast %parallel_loop3A_277 : i32 to index
        %parallel_loop3A_280 = arith.index_cast %parallel_loop3A_278 : i32 to index
        %parallel_loop3A_281 = arith.index_cast %parallel_loop3A_266 : i32 to index
        %parallel_loop3A_282 = tpu.vector_load %arg15[%parallel_loop3A_279, %parallel_loop3A_280, %parallel_loop3A_281] {strides = array<i32>} : memref<2x9x1600xf32, #tpu.memory_space<vmem>>, vector<16xf32>,
        tpu.vector_store_idx %arg7[%parallel_loop3A_270], %parallel_loop3A_282 {add = true} : memref<10000xf32, #tpu.memory_space<vmem>>[vector<16xi32>], vector<16xf32>,
        %parallel_loop3A_283 = arith.constant 1 : i32
        %parallel_loop3A_284 = arith.constant 2 : i32
        %parallel_loop3A_285 = arith.index_cast %parallel_loop3A_283 : i32 to index
        %parallel_loop3A_286 = arith.index_cast %parallel_loop3A_284 : i32 to index
        %parallel_loop3A_287 = arith.index_cast %parallel_loop3A_266 : i32 to index
        %parallel_loop3A_288 = tpu.vector_load %arg15[%parallel_loop3A_285, %parallel_loop3A_286, %parallel_loop3A_287] {strides = array<i32>} : memref<2x9x1600xf32, #tpu.memory_space<vmem>>, vector<16xf32>,
        tpu.vector_store_idx %arg8[%parallel_loop3A_270], %parallel_loop3A_288 {add = true} : memref<10000xf32, #tpu.memory_space<vmem>>[vector<16xi32>], vector<16xf32>,
        %parallel_loop3A_289 = arith.constant 1 : i32
        %parallel_loop3A_290 = arith.constant 3 : i32
        %parallel_loop3A_291 = arith.index_cast %parallel_loop3A_289 : i32 to index
        %parallel_loop3A_292 = arith.index_cast %parallel_loop3A_290 : i32 to index
        %parallel_loop3A_293 = arith.index_cast %parallel_loop3A_266 : i32 to index
        %parallel_loop3A_294 = tpu.vector_load %arg15[%parallel_loop3A_291, %parallel_loop3A_292, %parallel_loop3A_293] {strides = array<i32>} : memref<2x9x1600xf32, #tpu.memory_space<vmem>>, vector<16xf32>,
        tpu.vector_store_idx %arg9[%parallel_loop3A_270], %parallel_loop3A_294 {add = true} : memref<10000xf32, #tpu.memory_space<vmem>>[vector<16xi32>], vector<16xf32>,
        %parallel_loop3A_295 = arith.constant 1 : i32
        %parallel_loop3A_296 = arith.constant 4 : i32
        %parallel_loop3A_297 = arith.index_cast %parallel_loop3A_295 : i32 to index
        %parallel_loop3A_298 = arith.index_cast %parallel_loop3A_296 : i32 to index
        %parallel_loop3A_299 = arith.index_cast %parallel_loop3A_266 : i32 to index
        %parallel_loop3A_300 = tpu.vector_load %arg15[%parallel_loop3A_297, %parallel_loop3A_298, %parallel_loop3A_299] {strides = array<i32>} : memref<2x9x1600xf32, #tpu.memory_space<vmem>>, vector<16xf32>,
        tpu.vector_store_idx %arg10[%parallel_loop3A_270], %parallel_loop3A_300 {add = true} : memref<10000xf32, #tpu.memory_space<vmem>>[vector<16xi32>], vector<16xf32>,
        %parallel_loop3A_301 = arith.constant 1 : i32
        %parallel_loop3A_302 = arith.constant 5 : i32
        %parallel_loop3A_303 = arith.index_cast %parallel_loop3A_301 : i32 to index
        %parallel_loop3A_304 = arith.index_cast %parallel_loop3A_302 : i32 to index
        %parallel_loop3A_305 = arith.index_cast %parallel_loop3A_266 : i32 to index
        %parallel_loop3A_306 = tpu.vector_load %arg15[%parallel_loop3A_303, %parallel_loop3A_304, %parallel_loop3A_305] {strides = array<i32>} : memref<2x9x1600xf32, #tpu.memory_space<vmem>>, vector<16xf32>,
        tpu.vector_store_idx %arg11[%parallel_loop3A_270], %parallel_loop3A_306 {add = true} : memref<10000xf32, #tpu.memory_space<vmem>>[vector<16xi32>], vector<16xf32>,
        %parallel_loop3A_307 = arith.constant 1 : i32
        %parallel_loop3A_308 = arith.constant 6 : i32
        %parallel_loop3A_309 = arith.index_cast %parallel_loop3A_307 : i32 to index
        %parallel_loop3A_310 = arith.index_cast %parallel_loop3A_308 : i32 to index
        %parallel_loop3A_311 = arith.index_cast %parallel_loop3A_266 : i32 to index
        %parallel_loop3A_312 = tpu.vector_load %arg15[%parallel_loop3A_309, %parallel_loop3A_310, %parallel_loop3A_311] {strides = array<i32>} : memref<2x9x1600xf32, #tpu.memory_space<vmem>>, vector<16xf32>,
        tpu.vector_store_idx %arg12[%parallel_loop3A_270], %parallel_loop3A_312 {add = true} : memref<10000xf32, #tpu.memory_space<vmem>>[vector<16xi32>], vector<16xf32>,
        %parallel_loop3A_313 = arith.constant 1 : i32
        %parallel_loop3A_314 = arith.constant 7 : i32
        %parallel_loop3A_315 = arith.index_cast %parallel_loop3A_313 : i32 to index
        %parallel_loop3A_316 = arith.index_cast %parallel_loop3A_314 : i32 to index
        %parallel_loop3A_317 = arith.index_cast %parallel_loop3A_266 : i32 to index
        %parallel_loop3A_318 = tpu.vector_load %arg15[%parallel_loop3A_315, %parallel_loop3A_316, %parallel_loop3A_317] {strides = array<i32>} : memref<2x9x1600xf32, #tpu.memory_space<vmem>>, vector<16xf32>,
        tpu.vector_store_idx %arg13[%parallel_loop3A_270], %parallel_loop3A_318 {add = true} : memref<10000xf32, #tpu.memory_space<vmem>>[vector<16xi32>], vector<16xf32>,
        %parallel_loop3A_319 = arith.constant 1 : i32
        %parallel_loop3A_320 = arith.constant 8 : i32
        %parallel_loop3A_321 = arith.index_cast %parallel_loop3A_319 : i32 to index
        %parallel_loop3A_322 = arith.index_cast %parallel_loop3A_320 : i32 to index
        %parallel_loop3A_323 = arith.index_cast %parallel_loop3A_266 : i32 to index
        %parallel_loop3A_324 = tpu.vector_load %arg15[%parallel_loop3A_321, %parallel_loop3A_322, %parallel_loop3A_323] {strides = array<i32>} : memref<2x9x1600xf32, #tpu.memory_space<vmem>>, vector<16xf32>,
        tpu.vector_store_idx %arg14[%parallel_loop3A_270], %parallel_loop3A_324 {add = true} : memref<10000xf32, #tpu.memory_space<vmem>>[vector<16xi32>], vector<16xf32>,
      } {sc.loop_unroll_factor = 4 : i64, sc.parallel_access}
      %mul3A_252 = arith.constant 2 : i32
      %mul3A_253 = arith.muli %scan3A_190, %mul3A_252 : i32
      %add3A_254 = arith.constant 1 : i32
      %add3A_255 = arith.addi %mul3A_253, %add3A_254 : i32
      %add3A_256 = arith.constant 2 : i32
      %add3A_257 = arith.addi %add3A_255, %add3A_256 : i32
      %lt3A_258 = arith.constant 100 : i32
      %lt3A_259 = arith.cmpi slt, %add3A_257, %lt3A_258 : i32
      %convert_element_type3A_260 = arith.extui %lt3A_259 : i1 to i32
      %cond3A_261 = arith.constant 0 : i32
      %cond3A_262 = arith.cmpi ne, %convert_element_type3A_260, %cond3A_261 : i32
      scf.if %cond3A_262 {
        %mul3A_264 = arith.constant 1600 : i32
        %mul3A_265 = arith.muli %add3A_257, %mul3A_264 : i32
        %dma_start3A_266 = arith.constant 1 : i32
        %dma_start3A_267 = arith.constant 0 : i32
        %dma_start3A_268 = arith.constant 0 : i32
        %dma_start3A_269 = tpu.memref_slice %arg15[%dma_start3A_266, %dma_start3A_267, %dma_start3A_268] : memref<2x9x1600xf32, #tpu.memory_space<vmem>> -> memref<1x9x1600xf32, #tpu.memory_space<vmem>>
        %dma_start3A_270 = tpu.memref_squeeze %dma_start3A_269 : memref<1x9x1600xf32, #tpu.memory_space<vmem>> -> memref<9x1600xf32, #tpu.memory_space<vmem>>
        %dma_start3A_271 = tpu.memref_slice %arg2[%mul3A_2, %mul3A_265] : memref<288x160000xf32, #tpu.memory_space<hbm>> -> memref<9x1600xf32, #tpu.memory_space<hbm>>
        %dma_start3A_272 = arith.constant 0 : i32
        %dma_start3A_273 = arith.constant 0 : i32
        %dma_start3A_274 = tpu.memref_slice %arg15[%dma_start3A_266, %dma_start3A_272, %dma_start3A_273] : memref<2x9x1600xf32, #tpu.memory_space<vmem>> -> memref<1x9x1600xf32, #tpu.memory_space<vmem>>
        %dma_start3A_275 = tpu.memref_squeeze %dma_start3A_274 : memref<1x9x1600xf32, #tpu.memory_space<vmem>> -> memref<9x1600xf32, #tpu.memory_space<vmem>>
        %dma_start3A_276 = tpu.memref_slice %arg2[%mul3A_2, %mul3A_265] : memref<288x160000xf32, #tpu.memory_space<hbm>> -> memref<9x1600xf32, #tpu.memory_space<hbm>>
        tpu.enqueue_dma source(%dma_start3A_276 : memref<9x1600xf32, #tpu.memory_space<hbm>>) target(%dma_start3A_275 : memref<9x1600xf32, #tpu.memory_space<vmem>>) target_semaphore(%arg19 : memref<!tpu.dma_semaphore, #tpu.memory_space<semaphore_mem>>)
        %mul3A_277 = arith.constant 1600 : i32
        %mul3A_278 = arith.muli %add3A_257, %mul3A_277 : i32
        %dma_start3A_279 = arith.constant 1 : i32
        %dma_start3A_280 = arith.constant 0 : i32
        %dma_start3A_281 = tpu.memref_slice %arg16[%dma_start3A_279, %dma_start3A_280] : memref<2x1600xi32, #tpu.memory_space<vmem>> -> memref<1x1600xi32, #tpu.memory_space<vmem>>
        %dma_start3A_282 = tpu.memref_squeeze %dma_start3A_281 : memref<1x1600xi32, #tpu.memory_space<vmem>> -> memref<1600xi32, #tpu.memory_space<vmem>>
        %dma_start3A_283 = tpu.memref_slice %arg3[%mul3A_278] : memref<160000xi32, #tpu.memory_space<hbm>> -> memref<1600xi32, #tpu.memory_space<hbm>>
        %dma_start3A_284 = arith.constant 0 : i32
        %dma_start3A_285 = tpu.memref_slice %arg16[%dma_start3A_279, %dma_start3A_284] : memref<2x1600xi32, #tpu.memory_space<vmem>> -> memref<1x1600xi32, #tpu.memory_space<vmem>>
        %dma_start3A_286 = tpu.memref_squeeze %dma_start3A_285 : memref<1x1600xi32, #tpu.memory_space<vmem>> -> memref<1600xi32, #tpu.memory_space<vmem>>
        %dma_start3A_287 = tpu.memref_slice %arg3[%mul3A_278] : memref<160000xi32, #tpu.memory_space<hbm>> -> memref<1600xi32, #tpu.memory_space<hbm>>
        tpu.enqueue_dma source(%dma_start3A_287 : memref<1600xi32, #tpu.memory_space<hbm>>) target(%dma_start3A_286 : memref<1600xi32, #tpu.memory_space<vmem>>) target_semaphore(%arg19 : memref<!tpu.dma_semaphore, #tpu.memory_space<semaphore_mem>>)
      } else {
      }
      %scan3A_263 = arith.constant 0 : i32
      scf.yield %scan3A_263 : i32
    }
    %scan3A_153 = arith.constant 50 : i32
    %add3A_154 = arith.constant 0 : i32
    %add3A_155 = arith.addi %mul3A_2, %add3A_154 : i32
    %mul3A_156 = arith.constant 10000 : i32
    %mul3A_157 = arith.muli %add3A_155, %mul3A_156 : i32
    "tpu.region"() ({
      %run_scoped3A = tpu.sem_alloc : memref<!tpu.dma_semaphore, #tpu.memory_space<semaphore_mem>>
      %dma_start3A_190 = tpu.memref_slice %arg5[%mul3A_157] : memref<2880000xf32, #tpu.memory_space<hbm>> -> memref<10000xf32, #tpu.memory_space<hbm>>
      %dma_start3A_191 = tpu.memref_slice %arg5[%mul3A_157] : memref<2880000xf32, #tpu.memory_space<hbm>> -> memref<10000xf32, #tpu.memory_space<hbm>>
      tpu.enqueue_dma source(%arg6 : memref<10000xf32, #tpu.memory_space<vmem>>) target(%dma_start3A_191 : memref<10000xf32, #tpu.memory_space<hbm>>) target_semaphore(%run_scoped3A : memref<!tpu.dma_semaphore, #tpu.memory_space<semaphore_mem>>)
      %dma_wait3A = tpu.memref_slice %arg5[%mul3A_157] : memref<2880000xf32, #tpu.memory_space<hbm>> -> memref<10000xf32, #tpu.memory_space<hbm>>
      %dma_wait3A_192 = tpu.memref_slice %arg5[%mul3A_157] : memref<2880000xf32, #tpu.memory_space<hbm>> -> memref<10000xf32, #tpu.memory_space<hbm>>
      tpu.wait_dma2 semaphore(%run_scoped3A : memref<!tpu.dma_semaphore, #tpu.memory_space<semaphore_mem>>) src(%arg6 : memref<10000xf32, #tpu.memory_space<vmem>>) dst(%dma_wait3A_192 : memref<10000xf32, #tpu.memory_space<hbm>>)
      tpu.yield
    }) : () -> ()
    %add3A_158 = arith.constant 1 : i32
    %add3A_159 = arith.addi %mul3A_2, %add3A_158 : i32
    %mul3A_160 = arith.constant 10000 : i32
    %mul3A_161 = arith.muli %add3A_159, %mul3A_160 : i32
    "tpu.region"() ({
      %run_scoped3A = tpu.sem_alloc : memref<!tpu.dma_semaphore, #tpu.memory_space<semaphore_mem>>
      %dma_start3A_190 = tpu.memref_slice %arg5[%mul3A_161] : memref<2880000xf32, #tpu.memory_space<hbm>> -> memref<10000xf32, #tpu.memory_space<hbm>>
      %dma_start3A_191 = tpu.memref_slice %arg5[%mul3A_161] : memref<2880000xf32, #tpu.memory_space<hbm>> -> memref<10000xf32, #tpu.memory_space<hbm>>
      tpu.enqueue_dma source(%arg7 : memref<10000xf32, #tpu.memory_space<vmem>>) target(%dma_start3A_191 : memref<10000xf32, #tpu.memory_space<hbm>>) target_semaphore(%run_scoped3A : memref<!tpu.dma_semaphore, #tpu.memory_space<semaphore_mem>>)
      %dma_wait3A = tpu.memref_slice %arg5[%mul3A_161] : memref<2880000xf32, #tpu.memory_space<hbm>> -> memref<10000xf32, #tpu.memory_space<hbm>>
      %dma_wait3A_192 = tpu.memref_slice %arg5[%mul3A_161] : memref<2880000xf32, #tpu.memory_space<hbm>> -> memref<10000xf32, #tpu.memory_space<hbm>>
      tpu.wait_dma2 semaphore(%run_scoped3A : memref<!tpu.dma_semaphore, #tpu.memory_space<semaphore_mem>>) src(%arg7 : memref<10000xf32, #tpu.memory_space<vmem>>) dst(%dma_wait3A_192 : memref<10000xf32, #tpu.memory_space<hbm>>)
      tpu.yield
    }) : () -> ()
    %add3A_162 = arith.constant 2 : i32
    %add3A_163 = arith.addi %mul3A_2, %add3A_162 : i32
    %mul3A_164 = arith.constant 10000 : i32
    %mul3A_165 = arith.muli %add3A_163, %mul3A_164 : i32
    "tpu.region"() ({
      %run_scoped3A = tpu.sem_alloc : memref<!tpu.dma_semaphore, #tpu.memory_space<semaphore_mem>>
      %dma_start3A_190 = tpu.memref_slice %arg5[%mul3A_165] : memref<2880000xf32, #tpu.memory_space<hbm>> -> memref<10000xf32, #tpu.memory_space<hbm>>
      %dma_start3A_191 = tpu.memref_slice %arg5[%mul3A_165] : memref<2880000xf32, #tpu.memory_space<hbm>> -> memref<10000xf32, #tpu.memory_space<hbm>>
      tpu.enqueue_dma source(%arg8 : memref<10000xf32, #tpu.memory_space<vmem>>) target(%dma_start3A_191 : memref<10000xf32, #tpu.memory_space<hbm>>) target_semaphore(%run_scoped3A : memref<!tpu.dma_semaphore, #tpu.memory_space<semaphore_mem>>)
      %dma_wait3A = tpu.memref_slice %arg5[%mul3A_165] : memref<2880000xf32, #tpu.memory_space<hbm>> -> memref<10000xf32, #tpu.memory_space<hbm>>
      %dma_wait3A_192 = tpu.memref_slice %arg5[%mul3A_165] : memref<2880000xf32, #tpu.memory_space<hbm>> -> memref<10000xf32, #tpu.memory_space<hbm>>
      tpu.wait_dma2 semaphore(%run_scoped3A : memref<!tpu.dma_semaphore, #tpu.memory_space<semaphore_mem>>) src(%arg8 : memref<10000xf32, #tpu.memory_space<vmem>>) dst(%dma_wait3A_192 : memref<10000xf32, #tpu.memory_space<hbm>>)
      tpu.yield
    }) : () -> ()
    %add3A_166 = arith.constant 3 : i32
    %add3A_167 = arith.addi %mul3A_2, %add3A_166 : i32
    %mul3A_168 = arith.constant 10000 : i32
    %mul3A_169 = arith.muli %add3A_167, %mul3A_168 : i32
    "tpu.region"() ({
      %run_scoped3A = tpu.sem_alloc : memref<!tpu.dma_semaphore, #tpu.memory_space<semaphore_mem>>
      %dma_start3A_190 = tpu.memref_slice %arg5[%mul3A_169] : memref<2880000xf32, #tpu.memory_space<hbm>> -> memref<10000xf32, #tpu.memory_space<hbm>>
      %dma_start3A_191 = tpu.memref_slice %arg5[%mul3A_169] : memref<2880000xf32, #tpu.memory_space<hbm>> -> memref<10000xf32, #tpu.memory_space<hbm>>
      tpu.enqueue_dma source(%arg9 : memref<10000xf32, #tpu.memory_space<vmem>>) target(%dma_start3A_191 : memref<10000xf32, #tpu.memory_space<hbm>>) target_semaphore(%run_scoped3A : memref<!tpu.dma_semaphore, #tpu.memory_space<semaphore_mem>>)
      %dma_wait3A = tpu.memref_slice %arg5[%mul3A_169] : memref<2880000xf32, #tpu.memory_space<hbm>> -> memref<10000xf32, #tpu.memory_space<hbm>>
      %dma_wait3A_192 = tpu.memref_slice %arg5[%mul3A_169] : memref<2880000xf32, #tpu.memory_space<hbm>> -> memref<10000xf32, #tpu.memory_space<hbm>>
      tpu.wait_dma2 semaphore(%run_scoped3A : memref<!tpu.dma_semaphore, #tpu.memory_space<semaphore_mem>>) src(%arg9 : memref<10000xf32, #tpu.memory_space<vmem>>) dst(%dma_wait3A_192 : memref<10000xf32, #tpu.memory_space<hbm>>)
      tpu.yield
    }) : () -> ()
    %add3A_170 = arith.constant 4 : i32
    %add3A_171 = arith.addi %mul3A_2, %add3A_170 : i32
    %mul3A_172 = arith.constant 10000 : i32
    %mul3A_173 = arith.muli %add3A_171, %mul3A_172 : i32
    "tpu.region"() ({
      %run_scoped3A = tpu.sem_alloc : memref<!tpu.dma_semaphore, #tpu.memory_space<semaphore_mem>>
      %dma_start3A_190 = tpu.memref_slice %arg5[%mul3A_173] : memref<2880000xf32, #tpu.memory_space<hbm>> -> memref<10000xf32, #tpu.memory_space<hbm>>
      %dma_start3A_191 = tpu.memref_slice %arg5[%mul3A_173] : memref<2880000xf32, #tpu.memory_space<hbm>> -> memref<10000xf32, #tpu.memory_space<hbm>>
      tpu.enqueue_dma source(%arg10 : memref<10000xf32, #tpu.memory_space<vmem>>) target(%dma_start3A_191 : memref<10000xf32, #tpu.memory_space<hbm>>) target_semaphore(%run_scoped3A : memref<!tpu.dma_semaphore, #tpu.memory_space<semaphore_mem>>)
      %dma_wait3A = tpu.memref_slice %arg5[%mul3A_173] : memref<2880000xf32, #tpu.memory_space<hbm>> -> memref<10000xf32, #tpu.memory_space<hbm>>
      %dma_wait3A_192 = tpu.memref_slice %arg5[%mul3A_173] : memref<2880000xf32, #tpu.memory_space<hbm>> -> memref<10000xf32, #tpu.memory_space<hbm>>
      tpu.wait_dma2 semaphore(%run_scoped3A : memref<!tpu.dma_semaphore, #tpu.memory_space<semaphore_mem>>) src(%arg10 : memref<10000xf32, #tpu.memory_space<vmem>>) dst(%dma_wait3A_192 : memref<10000xf32, #tpu.memory_space<hbm>>)
      tpu.yield
    }) : () -> ()
    %add3A_174 = arith.constant 5 : i32
    %add3A_175 = arith.addi %mul3A_2, %add3A_174 : i32
    %mul3A_176 = arith.constant 10000 : i32
    %mul3A_177 = arith.muli %add3A_175, %mul3A_176 : i32
    "tpu.region"() ({
      %run_scoped3A = tpu.sem_alloc : memref<!tpu.dma_semaphore, #tpu.memory_space<semaphore_mem>>
      %dma_start3A_190 = tpu.memref_slice %arg5[%mul3A_177] : memref<2880000xf32, #tpu.memory_space<hbm>> -> memref<10000xf32, #tpu.memory_space<hbm>>
      %dma_start3A_191 = tpu.memref_slice %arg5[%mul3A_177] : memref<2880000xf32, #tpu.memory_space<hbm>> -> memref<10000xf32, #tpu.memory_space<hbm>>
      tpu.enqueue_dma source(%arg11 : memref<10000xf32, #tpu.memory_space<vmem>>) target(%dma_start3A_191 : memref<10000xf32, #tpu.memory_space<hbm>>) target_semaphore(%run_scoped3A : memref<!tpu.dma_semaphore, #tpu.memory_space<semaphore_mem>>)
      %dma_wait3A = tpu.memref_slice %arg5[%mul3A_177] : memref<2880000xf32, #tpu.memory_space<hbm>> -> memref<10000xf32, #tpu.memory_space<hbm>>
      %dma_wait3A_192 = tpu.memref_slice %arg5[%mul3A_177] : memref<2880000xf32, #tpu.memory_space<hbm>> -> memref<10000xf32, #tpu.memory_space<hbm>>
      tpu.wait_dma2 semaphore(%run_scoped3A : memref<!tpu.dma_semaphore, #tpu.memory_space<semaphore_mem>>) src(%arg11 : memref<10000xf32, #tpu.memory_space<vmem>>) dst(%dma_wait3A_192 : memref<10000xf32, #tpu.memory_space<hbm>>)
      tpu.yield
    }) : () -> ()
    %add3A_178 = arith.constant 6 : i32
    %add3A_179 = arith.addi %mul3A_2, %add3A_178 : i32
    %mul3A_180 = arith.constant 10000 : i32
    %mul3A_181 = arith.muli %add3A_179, %mul3A_180 : i32
    "tpu.region"() ({
      %run_scoped3A = tpu.sem_alloc : memref<!tpu.dma_semaphore, #tpu.memory_space<semaphore_mem>>
      %dma_start3A_190 = tpu.memref_slice %arg5[%mul3A_181] : memref<2880000xf32, #tpu.memory_space<hbm>> -> memref<10000xf32, #tpu.memory_space<hbm>>
      %dma_start3A_191 = tpu.memref_slice %arg5[%mul3A_181] : memref<2880000xf32, #tpu.memory_space<hbm>> -> memref<10000xf32, #tpu.memory_space<hbm>>
      tpu.enqueue_dma source(%arg12 : memref<10000xf32, #tpu.memory_space<vmem>>) target(%dma_start3A_191 : memref<10000xf32, #tpu.memory_space<hbm>>) target_semaphore(%run_scoped3A : memref<!tpu.dma_semaphore, #tpu.memory_space<semaphore_mem>>)
      %dma_wait3A = tpu.memref_slice %arg5[%mul3A_181] : memref<2880000xf32, #tpu.memory_space<hbm>> -> memref<10000xf32, #tpu.memory_space<hbm>>
      %dma_wait3A_192 = tpu.memref_slice %arg5[%mul3A_181] : memref<2880000xf32, #tpu.memory_space<hbm>> -> memref<10000xf32, #tpu.memory_space<hbm>>
      tpu.wait_dma2 semaphore(%run_scoped3A : memref<!tpu.dma_semaphore, #tpu.memory_space<semaphore_mem>>) src(%arg12 : memref<10000xf32, #tpu.memory_space<vmem>>) dst(%dma_wait3A_192 : memref<10000xf32, #tpu.memory_space<hbm>>)
      tpu.yield
    }) : () -> ()
    %add3A_182 = arith.constant 7 : i32
    %add3A_183 = arith.addi %mul3A_2, %add3A_182 : i32
    %mul3A_184 = arith.constant 10000 : i32
    %mul3A_185 = arith.muli %add3A_183, %mul3A_184 : i32
    "tpu.region"() ({
      %run_scoped3A = tpu.sem_alloc : memref<!tpu.dma_semaphore, #tpu.memory_space<semaphore_mem>>
      %dma_start3A_190 = tpu.memref_slice %arg5[%mul3A_185] : memref<2880000xf32, #tpu.memory_space<hbm>> -> memref<10000xf32, #tpu.memory_space<hbm>>
      %dma_start3A_191 = tpu.memref_slice %arg5[%mul3A_185] : memref<2880000xf32, #tpu.memory_space<hbm>> -> memref<10000xf32, #tpu.memory_space<hbm>>
      tpu.enqueue_dma source(%arg13 : memref<10000xf32, #tpu.memory_space<vmem>>) target(%dma_start3A_191 : memref<10000xf32, #tpu.memory_space<hbm>>) target_semaphore(%run_scoped3A : memref<!tpu.dma_semaphore, #tpu.memory_space<semaphore_mem>>)
      %dma_wait3A = tpu.memref_slice %arg5[%mul3A_185] : memref<2880000xf32, #tpu.memory_space<hbm>> -> memref<10000xf32, #tpu.memory_space<hbm>>
      %dma_wait3A_192 = tpu.memref_slice %arg5[%mul3A_185] : memref<2880000xf32, #tpu.memory_space<hbm>> -> memref<10000xf32, #tpu.memory_space<hbm>>
      tpu.wait_dma2 semaphore(%run_scoped3A : memref<!tpu.dma_semaphore, #tpu.memory_space<semaphore_mem>>) src(%arg13 : memref<10000xf32, #tpu.memory_space<vmem>>) dst(%dma_wait3A_192 : memref<10000xf32, #tpu.memory_space<hbm>>)
      tpu.yield
    }) : () -> ()
    %add3A_186 = arith.constant 8 : i32
    %add3A_187 = arith.addi %mul3A_2, %add3A_186 : i32
    %mul3A_188 = arith.constant 10000 : i32
    %mul3A_189 = arith.muli %add3A_187, %mul3A_188 : i32
    "tpu.region"() ({
      %run_scoped3A = tpu.sem_alloc : memref<!tpu.dma_semaphore, #tpu.memory_space<semaphore_mem>>
      %dma_start3A_190 = tpu.memref_slice %arg5[%mul3A_189] : memref<2880000xf32, #tpu.memory_space<hbm>> -> memref<10000xf32, #tpu.memory_space<hbm>>
      %dma_start3A_191 = tpu.memref_slice %arg5[%mul3A_189] : memref<2880000xf32, #tpu.memory_space<hbm>> -> memref<10000xf32, #tpu.memory_space<hbm>>
      tpu.enqueue_dma source(%arg14 : memref<10000xf32, #tpu.memory_space<vmem>>) target(%dma_start3A_191 : memref<10000xf32, #tpu.memory_space<hbm>>) target_semaphore(%run_scoped3A : memref<!tpu.dma_semaphore, #tpu.memory_space<semaphore_mem>>)
      %dma_wait3A = tpu.memref_slice %arg5[%mul3A_189] : memref<2880000xf32, #tpu.memory_space<hbm>> -> memref<10000xf32, #tpu.memory_space<hbm>>
      %dma_wait3A_192 = tpu.memref_slice %arg5[%mul3A_189] : memref<2880000xf32, #tpu.memory_space<hbm>> -> memref<10000xf32, #tpu.memory_space<hbm>>
      tpu.wait_dma2 semaphore(%run_scoped3A : memref<!tpu.dma_semaphore, #tpu.memory_space<semaphore_mem>>) src(%arg14 : memref<10000xf32, #tpu.memory_space<vmem>>) dst(%dma_wait3A_192 : memref<10000xf32, #tpu.memory_space<hbm>>)
      tpu.yield
    }) : () -> ()
    return
  }
}

module attributes {stable_mosaic.version = 14 : i64} {
  func.func @_edge_payload_kernel(%arg0: i32, %arg1: memref<3200x64xf32, #tpu.memory_space<vmem>>, %arg2: memref<9x3200xf32, #tpu.memory_space<vmem>>, %arg3: memref<64x64xf32, #tpu.memory_space<vmem>>, %arg4: memref<64xf32, #tpu.memory_space<vmem>>, %arg5: memref<64xf32, #tpu.memory_space<vmem>>, %arg6: memref<64x32xf32, #tpu.memory_space<vmem>>, %arg7: memref<32xf32, #tpu.memory_space<vmem>>, %arg8: memref<288x32xf32, #tpu.memory_space<vmem>>, %arg9: memref<288x9xf32, #tpu.memory_space<vmem>>, %arg10: memref<288x3200xf32, #tpu.memory_space<vmem>>) attributes {dimension_semantics = [#tpu.dimension_semantics<arbitrary>], iteration_bounds = array<i64: 50>, scalar_prefetch = 0 : i64, scratch_operands = 0 : i64, tpu.core_type = #tpu.core_type<tc>, window_params = [{transform_indices = @transform_0, window_bounds = array<i64: 3200, 64>}, {transform_indices = @transform_1, window_bounds = array<i64: 9, 3200>}, {pipeline_mode = #tpu.pipeline_mode<synchronous>, transform_indices = @transform_2, window_bounds = array<i64: 64, 64>}, {pipeline_mode = #tpu.pipeline_mode<synchronous>, transform_indices = @transform_3, window_bounds = array<i64: 64>}, {pipeline_mode = #tpu.pipeline_mode<synchronous>, transform_indices = @transform_4, window_bounds = array<i64: 64>}, {pipeline_mode = #tpu.pipeline_mode<synchronous>, transform_indices = @transform_5, window_bounds = array<i64: 64, 32>}, {pipeline_mode = #tpu.pipeline_mode<synchronous>, transform_indices = @transform_6, window_bounds = array<i64: 32>}, {pipeline_mode = #tpu.pipeline_mode<synchronous>, transform_indices = @transform_7, window_bounds = array<i64: 288, 32>}, {pipeline_mode = #tpu.pipeline_mode<synchronous>, transform_indices = @transform_8, window_bounds = array<i64: 288, 9>}, {transform_indices = @transform_9, window_bounds = array<i64: 288, 3200>}]} {
    %get3A = arith.constant 0 : index
    %get3A_0 = arith.constant 0 : index
    %get3A_1 = vector.load %arg1[%get3A, %get3A_0] : memref<3200x64xf32, #tpu.memory_space<vmem>>, vector<3200x64xf32>
    %get3A_2 = arith.constant 0 : index
    %get3A_3 = arith.constant 0 : index
    %get3A_4 = vector.load %arg3[%get3A_2, %get3A_3] : memref<64x64xf32, #tpu.memory_space<vmem>>, vector<64x64xf32>
    %dot_general3A = arith.constant dense<0.000000e+00> : vector<3200x64xf32>
    %dot_general3A_5 = tpu.matmul %get3A_1, %get3A_4, %dot_general3A {dimension_numbers = #tpu.dot_dimension_numbers<[1], [0], [0], [1], [0, 0, 1, 1], [], []>, transpose_lhs_hint = false} : vector<3200x64xf32>, vector<64x64xf32>, vector<3200x64xf32> -> vector<3200x64xf32>
    %reduce_sum3A = arith.constant dense<0.000000e+00> : vector<3200xf32>
    %reduce_sum3A_6 = vector.multi_reduction <add>, %dot_general3A_5, %reduce_sum3A [1] : vector<3200x64xf32> to vector<3200xf32>
    %broadcast_in_dim3A = vector.shape_cast %reduce_sum3A_6 : vector<3200xf32> to vector<3200x1xf32>
    %div3A = arith.constant 6.400000e+01 : f32
    %div3A_7 = vector.broadcast %div3A : f32 to vector<3200x1xf32>
    %div3A_8 = arith.divf %broadcast_in_dim3A, %div3A_7 : vector<3200x1xf32>
    %sub3A = vector.broadcast %div3A_8 : vector<3200x1xf32> to vector<3200x64xf32>
    %sub3A_9 = arith.subf %dot_general3A_5, %sub3A : vector<3200x64xf32>
    %square3A = arith.mulf %sub3A_9, %sub3A_9 : vector<3200x64xf32>
    %reduce_sum3A_10 = arith.constant dense<0.000000e+00> : vector<3200xf32>
    %reduce_sum3A_11 = vector.multi_reduction <add>, %square3A, %reduce_sum3A_10 [1] : vector<3200x64xf32> to vector<3200xf32>
    %broadcast_in_dim3A_12 = vector.shape_cast %reduce_sum3A_11 : vector<3200xf32> to vector<3200x1xf32>
    %div3A_13 = arith.constant 6.400000e+01 : f32
    %div3A_14 = vector.broadcast %div3A_13 : f32 to vector<3200x1xf32>
    %div3A_15 = arith.divf %broadcast_in_dim3A_12, %div3A_14 : vector<3200x1xf32>
    %sub3A_16 = vector.broadcast %div3A_8 : vector<3200x1xf32> to vector<3200x64xf32>
    %sub3A_17 = arith.subf %dot_general3A_5, %sub3A_16 : vector<3200x64xf32>
    %add3A = arith.constant 9.99999974E-6 : f32
    %add3A_18 = vector.broadcast %add3A : f32 to vector<3200x1xf32>
    %add3A_19 = arith.addf %div3A_15, %add3A_18 : vector<3200x1xf32>
    %rsqrt3A = math.rsqrt %add3A_19 : vector<3200x1xf32>
    %mul3A = vector.broadcast %rsqrt3A : vector<3200x1xf32> to vector<3200x64xf32>
    %mul3A_20 = arith.mulf %sub3A_17, %mul3A : vector<3200x64xf32>
    %get3A_21 = arith.constant 0 : index
    %get3A_22 = vector.load %arg4[%get3A_21] : memref<64xf32, #tpu.memory_space<vmem>>, vector<64xf32>
    %broadcast_in_dim3A_23 = vector.shape_cast %get3A_22 : vector<64xf32> to vector<1x64xf32>
    %mul3A_24 = vector.broadcast %broadcast_in_dim3A_23 : vector<1x64xf32> to vector<3200x64xf32>
    %mul3A_25 = arith.mulf %mul3A_20, %mul3A_24 : vector<3200x64xf32>
    %get3A_26 = arith.constant 0 : index
    %get3A_27 = vector.load %arg5[%get3A_26] : memref<64xf32, #tpu.memory_space<vmem>>, vector<64xf32>
    %broadcast_in_dim3A_28 = vector.shape_cast %get3A_27 : vector<64xf32> to vector<1x64xf32>
    %add3A_29 = vector.broadcast %broadcast_in_dim3A_28 : vector<1x64xf32> to vector<3200x64xf32>
    %add3A_30 = arith.addf %mul3A_25, %add3A_29 : vector<3200x64xf32>
    %logistic3A = arith.negf %add3A_30 : vector<3200x64xf32>
    %logistic3A_31 = math.exp %logistic3A : vector<3200x64xf32>
    %logistic3A_32 = arith.constant 1.000000e+00 : f32
    %logistic3A_33 = vector.broadcast %logistic3A_32 : f32 to vector<3200x64xf32>
    %logistic3A_34 = arith.addf %logistic3A_33, %logistic3A_31 : vector<3200x64xf32>
    %logistic3A_35 = arith.divf %logistic3A_33, %logistic3A_34 : vector<3200x64xf32>
    %mul3A_36 = arith.mulf %add3A_30, %logistic3A_35 : vector<3200x64xf32>
    %get3A_37 = arith.constant 0 : index
    %get3A_38 = arith.constant 0 : index
    %get3A_39 = vector.load %arg6[%get3A_37, %get3A_38] : memref<64x32xf32, #tpu.memory_space<vmem>>, vector<64x32xf32>
    %dot_general3A_40 = arith.constant dense<0.000000e+00> : vector<3200x32xf32>
    %dot_general3A_41 = tpu.matmul %mul3A_36, %get3A_39, %dot_general3A_40 {dimension_numbers = #tpu.dot_dimension_numbers<[1], [0], [0], [1], [0, 0, 1, 1], [], []>, transpose_lhs_hint = false} : vector<3200x64xf32>, vector<64x32xf32>, vector<3200x32xf32> -> vector<3200x32xf32>
    %get3A_42 = arith.constant 0 : index
    %get3A_43 = vector.load %arg7[%get3A_42] : memref<32xf32, #tpu.memory_space<vmem>>, vector<32xf32>
    %broadcast_in_dim3A_44 = vector.shape_cast %get3A_43 : vector<32xf32> to vector<1x32xf32>
    %add3A_45 = vector.broadcast %broadcast_in_dim3A_44 : vector<1x32xf32> to vector<3200x32xf32>
    %add3A_46 = arith.addf %dot_general3A_41, %add3A_45 : vector<3200x32xf32>
    %get3A_47 = arith.constant 0 : index
    %get3A_48 = arith.constant 0 : index
    %get3A_49 = vector.load %arg8[%get3A_47, %get3A_48] : memref<288x32xf32, #tpu.memory_space<vmem>>, vector<288x32xf32>
    %dot_general3A_50 = arith.constant dense<0.000000e+00> : vector<288x3200xf32>
    %dot_general3A_51 = tpu.matmul %get3A_49, %add3A_46, %dot_general3A_50 {dimension_numbers = #tpu.dot_dimension_numbers<[1], [1], [0], [0], [0, 0, 1, 0], [], []>, transpose_lhs_hint = false} : vector<288x32xf32>, vector<3200x32xf32>, vector<288x3200xf32> -> vector<288x3200xf32>
    %get3A_52 = arith.constant 0 : index
    %get3A_53 = arith.constant 0 : index
    %get3A_54 = vector.load %arg9[%get3A_52, %get3A_53] : memref<288x9xf32, #tpu.memory_space<vmem>>, vector<288x9xf32>
    %get3A_55 = arith.constant 0 : index
    %get3A_56 = arith.constant 0 : index
    %get3A_57 = vector.load %arg2[%get3A_55, %get3A_56] : memref<9x3200xf32, #tpu.memory_space<vmem>>, vector<9x3200xf32>
    %dot_general3A_58 = arith.constant dense<0.000000e+00> : vector<288x3200xf32>
    %dot_general3A_59 = tpu.matmul %get3A_54, %get3A_57, %dot_general3A_58 {dimension_numbers = #tpu.dot_dimension_numbers<[1], [0], [0], [1], [0, 0, 1, 1], [], []>, transpose_lhs_hint = false} : vector<288x9xf32>, vector<9x3200xf32>, vector<288x3200xf32> -> vector<288x3200xf32>
    %mul3A_60 = arith.mulf %dot_general3A_51, %dot_general3A_59 : vector<288x3200xf32>
    %swap3A = arith.constant 0 : index
    %swap3A_61 = arith.constant 0 : index
    %swap3A_62 = vector.load %arg10[%swap3A, %swap3A_61] : memref<288x3200xf32, #tpu.memory_space<vmem>>, vector<288x3200xf32>
    tpu.vector_store %arg10[%swap3A, %swap3A_61], %mul3A_60 {strides = array<i32>} : memref<288x3200xf32, #tpu.memory_space<vmem>>, vector<288x3200xf32>,
    return
  }
  func.func @transform_0(%arg0: i32) -> (i32, i32) {
    %c0_i32 = arith.constant 0 : i32
    %c0_i32_0 = arith.constant 0 : i32
    return %arg0, %c0_i32 : i32, i32
  }
  func.func @transform_1(%arg0: i32) -> (i32, i32) {
    %c0_i32 = arith.constant 0 : i32
    %c0_i32_0 = arith.constant 0 : i32
    return %c0_i32, %arg0 : i32, i32
  }
  func.func @transform_2(%arg0: i32) -> (i32, i32) {
    %c0_i32 = arith.constant 0 : i32
    %c0_i32_0 = arith.constant 0 : i32
    %c0_i32_1 = arith.constant 0 : i32
    return %c0_i32, %c0_i32_0 : i32, i32
  }
  func.func @transform_3(%arg0: i32) -> i32 {
    %c0_i32 = arith.constant 0 : i32
    %c0_i32_0 = arith.constant 0 : i32
    return %c0_i32 : i32
  }
  func.func @transform_4(%arg0: i32) -> i32 {
    %c0_i32 = arith.constant 0 : i32
    %c0_i32_0 = arith.constant 0 : i32
    return %c0_i32 : i32
  }
  func.func @transform_5(%arg0: i32) -> (i32, i32) {
    %c0_i32 = arith.constant 0 : i32
    %c0_i32_0 = arith.constant 0 : i32
    %c0_i32_1 = arith.constant 0 : i32
    return %c0_i32, %c0_i32_0 : i32, i32
  }
  func.func @transform_6(%arg0: i32) -> i32 {
    %c0_i32 = arith.constant 0 : i32
    %c0_i32_0 = arith.constant 0 : i32
    return %c0_i32 : i32
  }
  func.func @transform_7(%arg0: i32) -> (i32, i32) {
    %c0_i32 = arith.constant 0 : i32
    %c0_i32_0 = arith.constant 0 : i32
    %c0_i32_1 = arith.constant 0 : i32
    return %c0_i32, %c0_i32_0 : i32, i32
  }
  func.func @transform_8(%arg0: i32) -> (i32, i32) {
    %c0_i32 = arith.constant 0 : i32
    %c0_i32_0 = arith.constant 0 : i32
    %c0_i32_1 = arith.constant 0 : i32
    return %c0_i32, %c0_i32_0 : i32, i32
  }
  func.func @transform_9(%arg0: i32) -> (i32, i32) {
    %c0_i32 = arith.constant 0 : i32
    %c0_i32_0 = arith.constant 0 : i32
    return %c0_i32, %arg0 : i32, i32
  }
}

</mosaic_0001>

<sc_bundles>
// kernel: kernel.4.cloned.1.call-start
scs
__scs_entry_jumppad:
0x0: {  	(pc) =	sbr.rel $0x88, $3  }
0x1: {  	(tag) =	ssettag $0x0;
	lr =	simm.s32 $0x1  }
0x2: {  	[smem:$0x3F95] =	sst lr;
	_ =	strace $0xD0000000  }
0x3: {  	_ = 	snop  }
0x4: {  	_ = 	snop  }
0x5: {  	_ = 	snop  }
0x6: {  	_ = 	snop  }
0x7: {  	_ = 	snop  }
__scs_overlays_trampoline_lowered:
0x8: {  	[smem:$0x3FA4] =	sst s0  }
0x9: {  	[smem:$0x3FA5] =	sst s1  }
0xa: {  	[smem:$0x3FA6] =	sst s2  }
0xb: {  	[smem:$0x3FA7] =	sst s3  }
0xc: {  	[smem:$0x3FA8] =	sst s4  }
0xd: {  	[smem:$0x3FA9] =	sst s5  }
0xe: {  	[smem:$0x3FAA] =	sst s6  }
0xf: {  	[smem:$0x3FAB] =	sst s7  }
0x10: {  	[smem:$0x3FAC] =	sst s8  }
0x11: {  	[smem:$0x3FAD] =	sst s9;
	s0 =	simm.s32 @!p0 $0x0  }
0x12: {  	s1 =	sld [smem:$0x3F93];
	s0 =	simm.s32 @p0 $0x1  }
0x13: {  	[smem:$0x3FAE] =	sst s0;
	s0 =	simm.s32 @!p1 $0x0  }
0x14: {  	s2 =	sld [smem:$0x3F92];
	s0 =	simm.s32 @p1 $0x1  }
0x15: {  	[smem:$0x3FAF] =	sst s0;
	s0 =	simm.s32 @!p2 $0x0  }
0x16: {  	s3 =	sld [smem:$0x3FDB];
	s0 =	simm.s32 @p2 $0x1  }
0x17: {  	s4 =	simm.s32 $0x1BF5;
	[smem:$0x3FB1] =	sst s0  }
0x18: {  	s0 =	sld [smem:$0x3F94];
	_ =	swait.ge [sflag:s4], $0x0  }
0x19: {  	s7 =	sld [smem:$0x3F95]  }
0x1a: {  	s8 =	sadd.s32 $0xFFFFE003, lr  }
0x1b: {  	s9 =	sadd.s32 $0xFFFFFEF7, lr;
	s5 =	simm.s32 $0xFFFFFFFF;
	p2 =	slt.u32 s8, $0xFFFFF086  }
0x1c: {  	p1 =	slt.u32 s9, $0xF7A;
	s5 =	simm.s32 @!p2 $0x0  }
0x1d: {  	s5 =	simm.s32 @p1 $0x1;
	p0 =	seq.s32 s7, s2  }
0x1e: {  	s7 =	smul.u32 @!p0 $0xF7A, s2;
	p2 =	seq.s32 @!p0 s5, $0x0  }
0x1f: {  	s9 =	smul.u32 $0xF7A, s1;
	s8 =	simm.s32 @!p0 $0x1BF5;
	p2 =	por !p2, p0  }
0x20: {  	[sflag:s8] =	ssyncset.s32 @!p0 $0xFFFFF086;
	s6 =	sadd.s32 @!p0 s3, s7;
	s7 =	simm.s32 @!p0 $0x108  }
0x21: {  	s3 =	sadd.s32 s3, s9;
	s6 =	sadd.s32 @!p0 $0x88, s6;
	s7 =	simm.s32 @p2 $0x1082  }
0x22: {  	[simem:s7], [sflag:s8] =	dma.local @!p0 [hbm:s6], $0xF7A  }
0x23: {  	s9 =	sor.u32 $0xD0000000, s2;
	s6 =	simm.s32 $0x108;
	_ =	swait.ge @!p0 [sflag:s8], $0x0  }
0x24: {  	s3 =	sadd.s32 $0x88, s3;
	s6 =	simm.s32 @!p1 $0x1082;
	[sflag:s4] =	ssyncset.s32 $0xFFFFF086  }
0x25: {  	[simem:s6], [sflag:s4] =	dma.local [hbm:s3], $0xF7A  }
0x26: {  	[smem:$0x3F95] =	sst s1;
	(tag) =	ssettag s2;
	_ =	strace s9  }
0x27: {  	s1 =	sld [smem:$0x3FA5]  }
0x28: {  	s2 =	sld [smem:$0x3FA6]  }
0x29: {  	s4 =	sld [smem:$0x3FA8]  }
0x2a: {  	p0 =	seq.s32 s5, $0x0;
	s5 =	sld [smem:$0x3FA9]  }
0x2b: {  	s6 =	sld [smem:$0x3FAA]  }
0x2c: {  	s7 =	sld [smem:$0x3FAB]  }
0x2d: {  	s3 =	simm.s32 $0x108;
	s8 =	sld [smem:$0x3FAC]  }
0x2e: {  	s3 =	simm.s32 @!p0 $0x1082;
	s9 =	sld [smem:$0x3FAD]  }
0x2f: {  	lr =	sadd.s32 s0, s3;
	s0 =	sld [smem:$0x3FA4]  }
0x30: {  	s3 =	sld [smem:$0x3FA7]  }
0x31: {  	[smem:$0x3FB0] =	sst s10  }
0x32: {  	s10 =	sld [smem:$0x3FAE];
	_ =	sdelay $0x3  }
0x33: {  	p0 =	seq.s32 s10, $0x1;
	s10 =	sld [smem:$0x3FB0];
	_ =	sdelay $0x3  }
0x34: {  	[smem:$0x3FB0] =	sst s10  }
0x35: {  	s10 =	sld [smem:$0x3FAF];
	_ =	sdelay $0x3  }
0x36: {  	p1 =	seq.s32 s10, $0x1;
	s10 =	sld [smem:$0x3FB0];
	_ =	sdelay $0x3  }
0x37: {  	[smem:$0x3FB0] =	sst s10  }
0x38: {  	s10 =	sld [smem:$0x3FB1]  }
0x39: {  	_ = 	snop;
	(pc) =	sbr.ind lr, $3  }
0x3a: {  	_ = 	snop  }
0x3b: {  	_ = 	snop  }
0x3c: {  	p2 =	seq.s32 s10, $0x1;
	s10 =	sld [smem:$0x3FB0]  }
0x3d: {  	_ =	shalt  }
0x3e: {  	_ =	shalt  }
0x3f: {  	_ =	shalt  }
0x40: {  	_ =	shalt  }
0x41: {  	_ =	shalt  }
0x42: {  	_ =	shalt  }
0x43: {  	_ =	shalt  }
0x44: {  	_ =	shalt  }
0x45: {  	_ =	shalt  }
0x46: {  	_ =	shalt  }
0x47: {  	_ =	shalt  }
0x48: {  	_ =	shalt  }
0x49: {  	_ =	shalt  }
0x4a: {  	_ =	shalt  }
0x4b: {  	_ =	shalt  }
0x4c: {  	_ =	shalt  }
0x4d: {  	_ =	shalt  }
0x4e: {  	_ =	shalt  }
0x4f: {  	_ =	shalt  }
0x50: {  	_ =	shalt  }
0x51: {  	_ =	shalt  }
0x52: {  	_ =	shalt  }
0x53: {  	_ =	shalt  }
0x54: {  	_ =	shalt  }
0x55: {  	_ =	shalt  }
0x56: {  	_ =	shalt  }
0x57: {  	_ =	shalt  }
0x58: {  	_ =	shalt  }
0x59: {  	_ =	shalt  }
0x5a: {  	_ =	shalt  }
0x5b: {  	_ =	shalt  }
0x5c: {  	_ =	shalt  }
0x5d: {  	_ =	shalt  }
0x5e: {  	_ =	shalt  }
0x5f: {  	_ =	shalt  }
0x60: {  	_ =	shalt  }
0x61: {  	_ =	shalt  }
0x62: {  	_ =	shalt  }
0x63: {  	_ =	shalt  }
0x64: {  	_ =	shalt  }
0x65: {  	_ =	shalt  }
0x66: {  	_ =	shalt  }
0x67: {  	_ =	shalt  }
0x68: {  	_ =	shalt  }
0x69: {  	_ =	shalt  }
0x6a: {  	_ =	shalt  }
0x6b: {  	_ =	shalt  }
0x6c: {  	_ =	shalt  }
0x6d: {  	_ =	shalt  }
0x6e: {  	_ =	shalt  }
0x6f: {  	_ =	shalt  }
0x70: {  	_ =	shalt  }
0x71: {  	_ =	shalt  }
0x72: {  	_ =	shalt  }
0x73: {  	_ =	shalt  }
0x74: {  	_ =	shalt  }
0x75: {  	_ =	shalt  }
0x76: {  	_ =	shalt  }
0x77: {  	_ =	shalt  }
0x78: {  	_ =	shalt  }
0x79: {  	_ =	shalt  }
0x7a: {  	_ =	shalt  }
0x7b: {  	_ =	shalt  }
0x7c: {  	_ =	shalt  }
0x7d: {  	_ =	shalt  }
0x7e: {  	_ =	shalt  }
0x7f: {  	_ =	shalt  }
0x80: {  	_ =	shalt  }
0x81: {  	_ =	shalt  }
0x82: {  	_ =	shalt  }
0x83: {  	_ =	shalt  }
0x84: {  	_ =	shalt  }
0x85: {  	_ =	shalt  }
0x86: {  	_ =	shalt  }
0x87: {  	_ =	shalt  }
.Lfunc_end0:
.L_simem_size_0:
called_computation_lowered:
.L_overlay_start_0:
0x88: {  	s2 =	sld [smem:$0x3FD9]  }
0x89: {  	s3 =	sld [smem:$0x3FFE];
	_ =	sdelay $0x1  }
0x8a: {  	s1 =	srdreg.scid  }
0x8b: {  	s0 =	sand.u32 $0x1, s1  }
0x8c: {  	s17 =	sshll.u32 s0, $0xA;
	s2 =	sadd.s32 s3, s2  }
0x8d: {  	s2 =	sadd.s32 s2, s17  }
0x8e: {  	[smem:$0x3FBC] =	sst s2  }
0x8f: {  	_ = 	snop  }
0x90: {  	s2 =	sld [smem:$0x3FD0];
	(tm) =	ssettm $0x1  }
0x91: {  	s18 =	sld [smem:$0x3FFB];
	_ =	sdelay $0x3  }
0x92: {  	_ =	strace s18  }
0x93: {  	s3 =	sld [smem:$0x3FFC];
	_ =	sdelay $0x3  }
0x94: {  	_ =	strace s3  }
0x95: {  	s3 =	sld [smem:$0x3FFD];
	_ =	sdelay $0x3  }
0x96: {  	_ =	strace s3  }
0x97: {  	_ =	strace $0x8FFFFFFF  }
0x98: {  	s19 =	sld [smem:$0x3FDB];
	_ =	sdelay $0x1  }
0x99: {  	s4 =	simm.s32 $_scs_section_size  }
0x9a: {  	s5 =	simm.s32 $_size__tile_overlayer_lowered;
	s6 =	simm.s32 $_tile_overlayer_lowered  }
0x9b: {  	s22 =	simm.s32 $0x1BFF;
	s21 =	sshll.u32 s6, $0x1;
	s3 =	sadd.s32 s4, s19  }
0x9c: {  	s7 =	simm.s32 $0x0;
	s20 =	sshll.u32 s5, $0x1;
	s5 =	sadd.s32 s21, s3  }
0x9d: {  	[timem:s7], [sflag:s22] =	dma.local [hbm:s5], s20  }
0x9e: {  	_ =	swait.ge [sflag:s22], s20  }
0x9f: {  	s4 =	ssub.s32 $0x0, s20;
	[sflag:s22] =	ssyncset.done $0x0  }
0xa0: {  	[sflag:s22] =	ssyncadd.s32 s4;
	_ =	sdelay $0x1  }
0xa1: {  	s23 =	simm.s32 $0x1B8B  }
0xa2: {  	_ =	swait.ge [sflag:s23], $0x1  }
0xa3: {  	[sflag:s23] =	ssyncset.done $0x0  }
0xa4: {  	s25 =	simm.s32 $0x1B8E;
	s24 =	sld [smem:$0x3FFE];
	[sflag:s23] =	ssyncadd.s32 $0xFFFFFFFF  }
0xa5: {  	s26 =	simm.s32 $execute0_lowered;
	[smem:$0x3FD2] =	sst s25  }
0xa6: {  	s5 =	sshll.u32 s26, $0x1;
	_ =	strace $0x80000046;
	[dreg:$0x1] =	wrdreg $0xFFFFFFFF  }
0xa7: {  	s28 =	simm.s32 $_size_execute0_lowered;
	s3 =	sadd.s32 s3, s5;
	[dreg:$0x0] =	wrdreg $0x0  }
0xa8: {  	s5 =	sshll.u32 s28, $0x1;
	[dreg:$0x2] =	wrdreg s3  }
0xa9: {  	[dreg:$0x3] =	wrdreg s5  }
0xaa: {  	[dreg:$0x4] =	wrdreg $0xC0  }
0xab: {  	_ =	task [dreg:s7], $0x5FFFF  }
0xac: {  	[dreg:$0x1] =	wrdreg $0xFFFFFFFF  }
0xad: {  	[dreg:$0x0] =	wrdreg $0x60  }
0xae: {  	[dreg:$0x2] =	wrdreg s24  }
0xaf: {  	[dreg:$0x3] =	wrdreg s2  }
0xb0: {  	[dreg:$0x4] =	wrdreg $0x9  }
0xb1: {  	_ =	task.clear_ibuf [dreg:s7], $0x5FFFF;
	_ =	strace $0x90000046  }
0xb2: {  	s29 =	simm.s32 $0x9;
	_ =	strace $0x80000048  }
0xb3: {  	_ =	swait.ge [sflag:s29], $0x1  }
0xb4: {  	[sflag:s29] =	ssyncadd.s32 $0xFFFFFFFF  }
0xb5: {  	_ =	strace $0x90000048  }
0xb6: {  	_ =	sfence  }
0xb7: {  	s30 =	sld [smem:$0x0];
	_ =	sdelay $0x2  }
0xb8: {  	s31 =	sshll.u32 s1, $0xD;
	s1 =	sshrl.u32 s1, $0x2  }
0xb9: {  	s3 =	sand.u32 $0x4000, s31;
	s1 =	sadd.s32 s1, s30  }
0xba: {  	s0 =	sor.u32 s3, s0;
	s1 =	sshll.u32 s1, $0x11  }
0xbb: {  	s0 =	sor.u32 s1, s0  }
0xbc: {  	s0 =	sadd.s32 $0x8F2B, s0  }
0xbd: {  	[sflag:s0] =	ssyncadd.remote.s32 $0x1  }
0xbe: {  	_ =	sfence.sel $0xFFFF  }
0xbf: {  	[dreg:$0x0] =	wrdreg $0xFFFFFFFF;
	(pc) =	sbr.abs _section_cstart, $3  }
0xc0: {  	[dreg:$0x1] =	wrdreg $0xFFFFFFFF  }
0xc1: {  	_ =	task.clear_ibuf [dreg:s7], $0x2FFFF;
	_ =	strace $0x9FFFFFFF  }
0xc2: {  	(tm) =	ssettm $0x7FFFFFFF  }
0xc3: {  	_ =	shalt  }
tec
execute0_lowered:
.L_overlay_start_1:
0x0: {  	(tag) =	ssettag $0x1  }
0x1: {  	s0 =	rddreg [dreg:$0x0]  }
0x2: {  	s2 =	rddreg [dreg:$0x1];
	s1 =	srdreg.scid  }
0x3: {  	s4 =	stileid.u32;
	s3 =	simm.s32 $0x0;
	s28 =	simm.s32 $0x1D650  }
0x4: {  	s29 =	simm.s32 $0x1;
	s1 =	sand.u32 $0x1, s1;
	s4 =	sshll.u32 s4, $0x1  }
0x5: {  	s30 =	simm.s32 $0x2710;
	[smem:$0x7FF] =	sst s3;
	s7 =	sor.u32 s1, s4  }
0x6: {  	s31 =	simm.s32 $0x4E20;
	_ =	strace $0x80000047;
	s6 =	smul.u32 $0x12, s7  }
0x7: {  	s21 =	sadd.s32 $0xC8, s2;
	s4 =	sadd.s32 $0x7F1000, s0;
	s5 =	smul.u32 $0x15F900, s7  }
0x8: {  	s1 =	ssub.s32 $0x2, s1;
	[dreg:$0x5] =	wrdreg s21;
	s9 =	smul.u32 $0x15F90, s7  }
0x9: {  	s21 =	simm.s32 $0x3;
	s17 =	sshrl.u32 s1, $0x1;
	s7 =	smul.u32 $0x2BF2, s7  }
0xa: {  	s1 =	ssub.s32 s1, s17;
	s8 =	sadd.s32 s6, s0;
	s18 =	sshrl.u32 s5, $0x3  }
0xb: {  	s0 =	sadd.s32 $0x2000, s0;
	s9 =	sshrl.u32 s9, $0x3;
	s6 =	sadd.s32 s4, s18  }
0xc: {  	s8 =	sadd.s32 $0x1C00, s8;
	s20 =	sadd.s32 s0, s9;
	s0 =	sadd.s32 s0, s7  }
0xd: {  	s7 =	simm.s32 $0x13880;
	s9 =	simm.s32 $0x0;
	[dreg:$0x3] =	wrdreg s8  }
0xe: {  	s19 =	sadd.s32 $0xC8, s6;
	[dreg:$0x6] =	wrdreg s0;
	s22 =	sadd.s32 $0x4E2, s20  }
0xf: {  	s23 =	sadd.s32 $0x9C4, s20;
	s24 =	sadd.s32 $0xEA6, s20;
	[dreg:$0x4] =	wrdreg s19  }
0x10: {  	s25 =	sadd.s32 $0x1388, s20;
	s26 =	sadd.s32 $0x186A, s20;
	[dreg:$0x7] =	wrdreg s22  }
0x11: {  	s16 =	sadd.s32 $0x1D4C, s20;
	s17 =	sadd.s32 $0x222E, s20;
	[dreg:$0x8] =	wrdreg s23  }
.Ltmp0:
0x12: {  	s18 =	sadd.s32 $0x2710, s20;
	[dreg:$0x9] =	wrdreg s24;
	(pc) =	sbr.rel .LBB2_1-.Ltmp0, $4  }
0x13: {  	s0 =	simm.s32 $0x7530;
	s20 =	simm.s32 $0xC350;
	[dreg:$0xa] =	wrdreg s25  }
0x14: {  	s8 =	simm.s32 $0x2;
	[dreg:$0xb] =	wrdreg s26;
	s19 =	smax.u32 s1, $0x1  }
0x15: {  	s22 =	simm.s32 $0x640;
	s23 =	simm.s32 $0x27100;
	s26 =	simm.s32 $0x197D0  }
0x16: {  	s1 =	simm.s32 $0x9C40;
	s24 =	simm.s32 $0xEA60;
	s25 =	simm.s32 $0x11170  }
.LBB2_26:
0x17: {  	s10 =	rddreg [dreg:$0x6]  }
0x18: {  	[hbm4b:s10+s3] =	stream.linear.scatter [tilespmem:s3], [sflag:$0x3], $0x2710, $0x38;
	[tilespmem:$0x1DD20] =	vst v63  }
0x19: {  	_ =	swait.ge [sflag:s21], $0x2710  }
0x1a: {  	[sflag:s21] =	ssyncset.done $0x0  }
0x1b: {  	s11 =	rddreg [dreg:$0x7];
	[sflag:s21] =	ssyncadd.s32 $0xFFFFD8F0  }
0x1c: {  	[hbm4b:s11+s3] =	stream.linear.scatter [tilespmem:s30], [sflag:$0x3], $0x2710, $0x38;
	[tilespmem:$0x1DD20] =	vst v63  }
0x1d: {  	_ =	swait.ge [sflag:s21], $0x2710  }
0x1e: {  	[sflag:s21] =	ssyncset.done $0x0  }
0x1f: {  	s12 =	rddreg [dreg:$0x8];
	[sflag:s21] =	ssyncadd.s32 $0xFFFFD8F0  }
0x20: {  	[hbm4b:s12+s3] =	stream.linear.scatter [tilespmem:s31], [sflag:$0x3], $0x2710, $0x38;
	[tilespmem:$0x1DD20] =	vst v63  }
0x21: {  	_ =	swait.ge [sflag:s21], $0x2710  }
0x22: {  	[sflag:s21] =	ssyncset.done $0x0  }
0x23: {  	s13 =	rddreg [dreg:$0x9];
	[sflag:s21] =	ssyncadd.s32 $0xFFFFD8F0  }
0x24: {  	[hbm4b:s13+s3] =	stream.linear.scatter [tilespmem:s0], [sflag:$0x3], $0x2710, $0x38;
	[tilespmem:$0x1DD20] =	vst v63  }
0x25: {  	_ =	swait.ge [sflag:s21], $0x2710  }
0x26: {  	[sflag:s21] =	ssyncset.done $0x0  }
0x27: {  	s14 =	rddreg [dreg:$0xa];
	[sflag:s21] =	ssyncadd.s32 $0xFFFFD8F0  }
0x28: {  	[hbm4b:s14+s3] =	stream.linear.scatter [tilespmem:s1], [sflag:$0x3], $0x2710, $0x38;
	[tilespmem:$0x1DD20] =	vst v63  }
0x29: {  	_ =	swait.ge [sflag:s21], $0x2710  }
0x2a: {  	[sflag:s21] =	ssyncset.done $0x0  }
0x2b: {  	s15 =	rddreg [dreg:$0xb];
	[sflag:s21] =	ssyncadd.s32 $0xFFFFD8F0  }
0x2c: {  	[hbm4b:s15+s3] =	stream.linear.scatter [tilespmem:s20], [sflag:$0x3], $0x2710, $0x38;
	[tilespmem:$0x1DD20] =	vst v63  }
0x2d: {  	_ =	swait.ge [sflag:s21], $0x2710  }
0x2e: {  	[sflag:s21] =	ssyncset.done $0x0  }
0x2f: {  	[sflag:s21] =	ssyncadd.s32 $0xFFFFD8F0  }
0x30: {  	[hbm4b:s16+s3] =	stream.linear.scatter [tilespmem:s24], [sflag:$0x3], $0x2710, $0x38;
	[tilespmem:$0x1DD20] =	vst v63  }
0x31: {  	_ =	swait.ge [sflag:s21], $0x2710  }
0x32: {  	[sflag:s21] =	ssyncset.done $0x0  }
0x33: {  	[sflag:s21] =	ssyncadd.s32 $0xFFFFD8F0  }
0x34: {  	[hbm4b:s17+s3] =	stream.linear.scatter [tilespmem:s25], [sflag:$0x3], $0x2710, $0x38;
	[tilespmem:$0x1DD20] =	vst v63  }
0x35: {  	s9 =	sadd.s32 $0x1, s9;
	_ =	swait.ge [sflag:s21], $0x2710  }
0x36: {  	p0 =	sne.s32 s9, s19;
	[sflag:s21] =	ssyncset.done $0x0  }
.Ltmp1:
0x37: {  	[sflag:s21] =	ssyncadd.s32 $0xFFFFD8F0;
	(pc) =	sbr.rel @!p0 .LBB2_27-.Ltmp1, $4  }
0x38: {  	[hbm4b:s18+s3] =	stream.linear.scatter [tilespmem:s7], [sflag:$0x3], $0x2710, $0x38;
	[tilespmem:$0x1DD20] =	vst v63  }
0x39: {  	_ =	swait.ge [sflag:s21], $0x2710  }
0x3a: {  	[sflag:s21] =	ssyncset.done $0x0  }
0x3b: {  	[sflag:s21] =	ssyncadd.s32 $0xFFFFD8F0  }
.LBB2_1:
0x3c: {  	s10 =	rddreg [dreg:$0x3];
	s11 =	simm.s32 $0x1DC90  }
0x3d: {  	[tilespmem:s11], [sflag:$0x3] =	stream.linear.gather [hbm4b:s10+s3], $0x90, $0x38;
	[tilespmem:$0x1DD20] =	vst v63  }
0x3e: {  	_ =	swait.ge [sflag:s21], $0x90  }
0x3f: {  	[sflag:s21] =	ssyncset.done $0x0  }
0x40: {  	[sflag:s21] =	ssyncadd.s32 $0xFFFFFF70  }
0x41: {  	v0 =	vld [tilespmem:$0x1DC90];
	_ =	sdelay $0x3  }
0x42: {  	s10 =	simm.s32 $0x40;
	s11 =	simm.s32 $0x0  }
.LBB2_2:
0x43: {  	p0 =	sne.s32 s10, $0x9C00;
	[tilespmem:s11+$0x0] =	vst v0;
	s11 =	smov.u32 s10;
	s10 =	sadd.s32 $0x40, s10  }
.Ltmp2:
0x44: {  	(pc) =	sbr.rel @p0 .LBB2_2-.Ltmp2, $2  }
0x45: {  	_ =	sdelay $0x2  }
0x46: {  	s11 =	sshra.s32 s11, $0x2  }
0x47: {  	[tilespmem:s11+$0x0] =	vst v0  }
0x48: {  	v0 =	vld [tilespmem:$0x1DCA0];
	_ =	sdelay $0x3  }
0x49: {  	s10 =	simm.s32 $0x40;
	s11 =	simm.s32 $0x0  }
.LBB2_4:
0x4a: {  	p0 =	sne.s32 s10, $0x9C00;
	[tilespmem:s11+$0x2710] =	vst v0;
	s11 =	smov.u32 s10;
	s10 =	sadd.s32 $0x40, s10  }
.Ltmp3:
0x4b: {  	(pc) =	sbr.rel @p0 .LBB2_4-.Ltmp3, $2  }
0x4c: {  	_ =	sdelay $0x2  }
0x4d: {  	s11 =	sshra.s32 s11, $0x2  }
0x4e: {  	[tilespmem:s11+$0x2710] =	vst v0  }
0x4f: {  	v0 =	vld [tilespmem:$0x1DCB0];
	_ =	sdelay $0x3  }
0x50: {  	s10 =	simm.s32 $0x40;
	s11 =	simm.s32 $0x0  }
.LBB2_6:
0x51: {  	p0 =	sne.s32 s10, $0x9C00;
	[tilespmem:s11+$0x4E20] =	vst v0;
	s11 =	smov.u32 s10;
	s10 =	sadd.s32 $0x40, s10  }
.Ltmp4:
0x52: {  	(pc) =	sbr.rel @p0 .LBB2_6-.Ltmp4, $2  }
0x53: {  	_ =	sdelay $0x2  }
0x54: {  	s11 =	sshra.s32 s11, $0x2  }
0x55: {  	[tilespmem:s11+$0x4E20] =	vst v0  }
0x56: {  	v0 =	vld [tilespmem:$0x1DCC0];
	_ =	sdelay $0x3  }
0x57: {  	s10 =	simm.s32 $0x40;
	s11 =	simm.s32 $0x0  }
.LBB2_8:
0x58: {  	p0 =	sne.s32 s10, $0x9C00;
	[tilespmem:s11+$0x7530] =	vst v0;
	s11 =	smov.u32 s10;
	s10 =	sadd.s32 $0x40, s10  }
.Ltmp5:
0x59: {  	(pc) =	sbr.rel @p0 .LBB2_8-.Ltmp5, $2  }
0x5a: {  	_ =	sdelay $0x2  }
0x5b: {  	s11 =	sshra.s32 s11, $0x2  }
0x5c: {  	[tilespmem:s11+$0x7530] =	vst v0  }
0x5d: {  	v0 =	vld [tilespmem:$0x1DCD0];
	_ =	sdelay $0x3  }
0x5e: {  	s10 =	simm.s32 $0x40;
	s11 =	simm.s32 $0x0  }
.LBB2_10:
0x5f: {  	p0 =	sne.s32 s10, $0x9C00;
	[tilespmem:s11+$0x9C40] =	vst v0;
	s11 =	smov.u32 s10;
	s10 =	sadd.s32 $0x40, s10  }
.Ltmp6:
0x60: {  	(pc) =	sbr.rel @p0 .LBB2_10-.Ltmp6, $2  }
0x61: {  	_ =	sdelay $0x2  }
0x62: {  	s11 =	sshra.s32 s11, $0x2  }
0x63: {  	[tilespmem:s11+$0x9C40] =	vst v0  }
0x64: {  	v0 =	vld [tilespmem:$0x1DCE0];
	_ =	sdelay $0x3  }
0x65: {  	s10 =	simm.s32 $0x40;
	s11 =	simm.s32 $0x0  }
.LBB2_12:
0x66: {  	p0 =	sne.s32 s10, $0x9C00;
	[tilespmem:s11+$0xC350] =	vst v0;
	s11 =	smov.u32 s10;
	s10 =	sadd.s32 $0x40, s10  }
.Ltmp7:
0x67: {  	(pc) =	sbr.rel @p0 .LBB2_12-.Ltmp7, $2  }
0x68: {  	_ =	sdelay $0x2  }
0x69: {  	s11 =	sshra.s32 s11, $0x2  }
0x6a: {  	[tilespmem:s11+$0xC350] =	vst v0  }
0x6b: {  	v0 =	vld [tilespmem:$0x1DCF0];
	_ =	sdelay $0x3  }
0x6c: {  	s10 =	simm.s32 $0x40;
	s11 =	simm.s32 $0x0  }
.LBB2_14:
0x6d: {  	p0 =	sne.s32 s10, $0x9C00;
	[tilespmem:s11+$0xEA60] =	vst v0;
	s11 =	smov.u32 s10;
	s10 =	sadd.s32 $0x40, s10  }
.Ltmp8:
0x6e: {  	(pc) =	sbr.rel @p0 .LBB2_14-.Ltmp8, $2  }
0x6f: {  	_ =	sdelay $0x2  }
0x70: {  	s11 =	sshra.s32 s11, $0x2  }
0x71: {  	[tilespmem:s11+$0xEA60] =	vst v0  }
0x72: {  	v0 =	vld [tilespmem:$0x1DD00];
	_ =	sdelay $0x3  }
0x73: {  	s10 =	simm.s32 $0x40;
	s11 =	simm.s32 $0x0  }
.LBB2_16:
0x74: {  	p0 =	sne.s32 s10, $0x9C00;
	[tilespmem:s11+$0x11170] =	vst v0;
	s11 =	smov.u32 s10;
	s10 =	sadd.s32 $0x40, s10  }
.Ltmp9:
0x75: {  	(pc) =	sbr.rel @p0 .LBB2_16-.Ltmp9, $2  }
0x76: {  	_ =	sdelay $0x2  }
0x77: {  	s11 =	sshra.s32 s11, $0x2  }
0x78: {  	[tilespmem:s11+$0x11170] =	vst v0  }
0x79: {  	v0 =	vld [tilespmem:$0x1DD10];
	_ =	sdelay $0x3  }
0x7a: {  	s10 =	simm.s32 $0x40;
	s11 =	simm.s32 $0x0  }
.LBB2_18:
0x7b: {  	p0 =	sne.s32 s10, $0x9C00;
	[tilespmem:s11+$0x13880] =	vst v0;
	s11 =	smov.u32 s10;
	s10 =	sadd.s32 $0x40, s10  }
.Ltmp10:
0x7c: {  	(pc) =	sbr.rel @p0 .LBB2_18-.Ltmp10, $2  }
0x7d: {  	_ =	sdelay $0x2  }
0x7e: {  	s11 =	sshra.s32 s11, $0x2  }
0x7f: {  	[tilespmem:s11+$0x13880] =	vst v0;
	s10 =	simm.s32 $0x15F90  }
0x80: {  	[tilespmem:s10], [sflag:$0x1] =	stream.strided.gather [hbm4b:s6+s22], $0x3840, s23, s22, $0x38;
	[tilespmem:$0x1DD20] =	vst v63  }
0x81: {  	s13 =	simm.s32 $0x1D010;
	s10 =	simm.s32 $0x0  }
0x82: {  	[tilespmem:s13], [sflag:$0x1] =	stream.linear.gather [hbm4b:s2+s10], $0x640, $0x38;
	[tilespmem:$0x1DD20] =	vst v63  }
0x83: {  	s14 =	rddreg [dreg:$0x4]  }
0x84: {  	[tilespmem:s26], [sflag:$0x2] =	stream.strided.gather [hbm4b:s14+s22], $0x3840, s23, s22, $0x38;
	[tilespmem:$0x1DD20] =	vst v63  }
0x85: {  	s15 =	rddreg [dreg:$0x5]  }
0x86: {  	[tilespmem:s28], [sflag:$0x2] =	stream.linear.gather [hbm4b:s15+s10], $0x640, $0x38;
	[tilespmem:$0x1DD20] =	vst v63  }
.LBB2_20:
0x87: {  	_ =	swait.ge [sflag:s29], $0x3840  }
0x88: {  	[sflag:s29] =	ssyncset.done $0x0  }
0x89: {  	[sflag:s29] =	ssyncadd.s32 $0xFFFFC7C0  }
0x8a: {  	_ =	swait.ge [sflag:s29], $0x640  }
0x8b: {  	[sflag:s29] =	ssyncset.done $0x0  }
0x8c: {  	s12 =	simm.s32 $0x1D030;
	[sflag:s29] =	ssyncadd.s32 $0xFFFFF9C0  }
0x8d: {  	v3 =	vld [tilespmem:s12+$0x10]  }
0x8e: {  	v0 =	vld [tilespmem:s12+$0xFFFFFFF0]  }
0x8f: {  	s11 =	simm.s32 $0x178B0;
	v2 =	vld [tilespmem:s12+$0xFFFFFFE0]  }
0x90: {  	v4 =	vld [tilespmem:s11+$0xFFFFE710]  }
0x91: {  	v6 =	vld [tilespmem:s11+$0xFFFFE6F0]  }
0x92: {  	v5 =	vld [tilespmem:s11+$0xFFFFE6E0]  }
0x93: {  	v1 =	vld [tilespmem:s12+$0x0]  }
0x94: {  	v7 =	vld [tilespmem:s11+$0xFFFFE700]  }
0x95: {  	[tilespmem:v3+s3+$0x0] =	vst.idx.add.f32.msk $0xffff, v4  }
0x96: {  	[tilespmem:v0+s3+$0x0] =	vst.idx.add.f32.msk $0xffff, v6  }
0x97: {  	[tilespmem:v2+s3+$0x0] =	vst.idx.add.f32.msk $0xffff, v5  }
0x98: {  	v4 =	vld [tilespmem:s11+$0xFFFFED50]  }
0x99: {  	v5 =	vld [tilespmem:s11+$0xFFFFED20]  }
0x9a: {  	v6 =	vld [tilespmem:s11+$0xFFFFED30]  }
0x9b: {  	[tilespmem:v1+s3+$0x0] =	vst.idx.add.f32.msk $0xffff, v7  }
0x9c: {  	v7 =	vld [tilespmem:s11+$0xFFFFED40]  }
0x9d: {  	[tilespmem:v3+s30+$0x0] =	vst.idx.add.f32.msk $0xffff, v4  }
0x9e: {  	[tilespmem:v2+s30+$0x0] =	vst.idx.add.f32.msk $0xffff, v5  }
0x9f: {  	[tilespmem:v0+s30+$0x0] =	vst.idx.add.f32.msk $0xffff, v6  }
0xa0: {  	v4 =	vld [tilespmem:s11+$0xFFFFF390]  }
0xa1: {  	v5 =	vld [tilespmem:s11+$0xFFFFF360]  }
0xa2: {  	[tilespmem:v1+s30+$0x0] =	vst.idx.add.f32.msk $0xffff, v7  }
0xa3: {  	v6 =	vld [tilespmem:s11+$0xFFFFF370]  }
0xa4: {  	v7 =	vld [tilespmem:s11+$0xFFFFF380]  }
0xa5: {  	[tilespmem:v3+s31+$0x0] =	vst.idx.add.f32.msk $0xffff, v4  }
0xa6: {  	[tilespmem:v2+s31+$0x0] =	vst.idx.add.f32.msk $0xffff, v5  }
0xa7: {  	v4 =	vld [tilespmem:s11+$0xFFFFF9D0]  }
0xa8: {  	[tilespmem:v0+s31+$0x0] =	vst.idx.add.f32.msk $0xffff, v6  }
0xa9: {  	[tilespmem:v1+s31+$0x0] =	vst.idx.add.f32.msk $0xffff, v7  }
0xaa: {  	v5 =	vld [tilespmem:s11+$0xFFFFF9A0]  }
0xab: {  	v6 =	vld [tilespmem:s11+$0xFFFFF9B0]  }
0xac: {  	[tilespmem:v3+s0+$0x0] =	vst.idx.add.f32.msk $0xffff, v4  }
0xad: {  	v4 =	vld [tilespmem:s11+$0x10]  }
0xae: {  	v7 =	vld [tilespmem:s11+$0xFFFFF9C0]  }
0xaf: {  	[tilespmem:v2+s0+$0x0] =	vst.idx.add.f32.msk $0xffff, v5  }
0xb0: {  	[tilespmem:v0+s0+$0x0] =	vst.idx.add.f32.msk $0xffff, v6  }
0xb1: {  	v5 =	vld [tilespmem:s11+$0xFFFFFFE0]  }
0xb2: {  	[tilespmem:v3+s1+$0x0] =	vst.idx.add.f32.msk $0xffff, v4  }
0xb3: {  	v4 =	vld [tilespmem:s11+$0x650]  }
0xb4: {  	[tilespmem:v1+s0+$0x0] =	vst.idx.add.f32.msk $0xffff, v7  }
0xb5: {  	v6 =	vld [tilespmem:s11+$0x0];
	_ =	sdelay $0x1  }
0xb6: {  	[tilespmem:v2+s1+$0x0] =	vst.idx.add.f32.msk $0xffff, v5  }
0xb7: {  	[tilespmem:v3+s20+$0x0] =	vst.idx.add.f32.msk $0xffff, v4  }
0xb8: {  	v4 =	vld [tilespmem:s11+$0xC90]  }
0xb9: {  	[tilespmem:v1+s1+$0x0] =	vst.idx.add.f32.msk $0xffff, v6  }
0xba: {  	v5 =	vld [tilespmem:s11+$0x620]  }
0xbb: {  	v6 =	vld [tilespmem:s11+$0x640];
	_ =	sdelay $0x1  }
0xbc: {  	[tilespmem:v3+s24+$0x0] =	vst.idx.add.f32.msk $0xffff, v4  }
0xbd: {  	v4 =	vld [tilespmem:s11+$0xFFFFFFF0]  }
0xbe: {  	[tilespmem:v2+s20+$0x0] =	vst.idx.add.f32.msk $0xffff, v5  }
0xbf: {  	[tilespmem:v1+s20+$0x0] =	vst.idx.add.f32.msk $0xffff, v6  }
0xc0: {  	v5 =	vld [tilespmem:s11+$0xC60]  }
0xc1: {  	v6 =	vld [tilespmem:s11+$0xC80]  }
0xc2: {  	[tilespmem:v0+s1+$0x0] =	vst.idx.add.f32.msk $0xffff, v4  }
0xc3: {  	v4 =	vld [tilespmem:s11+$0x630];
	_ =	sdelay $0x1  }
0xc4: {  	[tilespmem:v2+s24+$0x0] =	vst.idx.add.f32.msk $0xffff, v5  }
0xc5: {  	[tilespmem:v1+s24+$0x0] =	vst.idx.add.f32.msk $0xffff, v6  }
0xc6: {  	v7 =	vld [tilespmem:s11+$0x12D0]  }
0xc7: {  	[tilespmem:v0+s20+$0x0] =	vst.idx.add.f32.msk $0xffff, v4  }
0xc8: {  	v4 =	vld [tilespmem:s11+$0xC70]  }
0xc9: {  	v5 =	vld [tilespmem:s11+$0x12A0]  }
0xca: {  	v8 =	vld [tilespmem:s11+$0x12C0]  }
0xcb: {  	[tilespmem:v3+s25+$0x0] =	vst.idx.add.f32.msk $0xffff, v7  }
0xcc: {  	v7 =	vld [tilespmem:s11+$0x1910]  }
0xcd: {  	[tilespmem:v0+s24+$0x0] =	vst.idx.add.f32.msk $0xffff, v4  }
0xce: {  	v4 =	vld [tilespmem:s11+$0x12B0]  }
0xcf: {  	[tilespmem:v2+s25+$0x0] =	vst.idx.add.f32.msk $0xffff, v5  }
0xd0: {  	[tilespmem:v1+s25+$0x0] =	vst.idx.add.f32.msk $0xffff, v8  }
0xd1: {  	v6 =	vld [tilespmem:s11+$0x18E0]  }
0xd2: {  	[tilespmem:v3+s7+$0x0] =	vst.idx.add.f32.msk $0xffff, v7  }
0xd3: {  	[tilespmem:v0+s25+$0x0] =	vst.idx.add.f32.msk $0xffff, v4  }
0xd4: {  	s14 =	simm.s32 $0x1D070;
	s13 =	simm.s32 $0x178B0;
	s12 =	simm.s32 $0x0;
	v3 =	vld [tilespmem:s11+$0x18F0]  }
.LBB2_21:
0xd5: {  	v7 =	vld [tilespmem:s14+$0x10];
	s12 =	sadd.s32 $0x4, s12  }
0xd6: {  	v5 =	vld [tilespmem:s14+$0xFFFFFFF0];
	p0 =	slt.u32 s12, $0x60  }
0xd7: {  	s11 =	sadd.s32 $0x40, s11;
	v4 =	vld [tilespmem:s14+$0x0]  }
0xd8: {  	v8 =	vld [tilespmem:s11+$0xFFFFE710]  }
0xd9: {  	v9 =	vld [tilespmem:s14+$0xFFFFFFE0]  }
0xda: {  	v10 =	vld [tilespmem:s11+$0xFFFFE6E0]  }
0xdb: {  	v11 =	vld [tilespmem:s11+$0xFFFFE6F0]  }
0xdc: {  	v12 =	vld [tilespmem:s11+$0xFFFFE700]  }
0xdd: {  	[tilespmem:v7+s3+$0x0] =	vst.idx.add.f32.msk $0xffff, v8  }
0xde: {  	v8 =	vld [tilespmem:s11+$0xFFFFED50]  }
0xdf: {  	v13 =	vld [tilespmem:s13+$0x1900];
	s13 =	smov.u32 s11  }
0xe0: {  	[tilespmem:v5+s3+$0x0] =	vst.idx.add.f32.msk $0xffff, v11  }
0xe1: {  	[tilespmem:v9+s3+$0x0] =	vst.idx.add.f32.msk $0xffff, v10  }
0xe2: {  	[tilespmem:v4+s3+$0x0] =	vst.idx.add.f32.msk $0xffff, v12  }
0xe3: {  	[tilespmem:v7+s30+$0x0] =	vst.idx.add.f32.msk $0xffff, v8  }
0xe4: {  	v8 =	vld [tilespmem:s11+$0xFFFFF390]  }
0xe5: {  	v10 =	vld [tilespmem:s11+$0xFFFFED20]  }
0xe6: {  	v11 =	vld [tilespmem:s11+$0xFFFFED30]  }
0xe7: {  	v12 =	vld [tilespmem:s11+$0xFFFFED40]  }
0xe8: {  	[tilespmem:v2+s7+$0x0] =	vst.idx.add.f32.msk $0xffff, v6;
	v2 =	vmov v9  }
0xe9: {  	[tilespmem:v7+s31+$0x0] =	vst.idx.add.f32.msk $0xffff, v8  }
0xea: {  	v6 =	vld [tilespmem:s11+$0xFFFFF9D0]  }
0xeb: {  	[tilespmem:v9+s30+$0x0] =	vst.idx.add.f32.msk $0xffff, v10  }
0xec: {  	[tilespmem:v5+s30+$0x0] =	vst.idx.add.f32.msk $0xffff, v11  }
0xed: {  	[tilespmem:v4+s30+$0x0] =	vst.idx.add.f32.msk $0xffff, v12  }
0xee: {  	v8 =	vld [tilespmem:s11+$0xFFFFF360]  }
0xef: {  	[tilespmem:v7+s0+$0x0] =	vst.idx.add.f32.msk $0xffff, v6  }
0xf0: {  	v6 =	vld [tilespmem:s11+$0x10]  }
0xf1: {  	v9 =	vld [tilespmem:s11+$0xFFFFF370]  }
0xf2: {  	v10 =	vld [tilespmem:s11+$0xFFFFF380]  }
0xf3: {  	[tilespmem:v2+s31+$0x0] =	vst.idx.add.f32.msk $0xffff, v8  }
0xf4: {  	v8 =	vld [tilespmem:s11+$0xFFFFF9A0]  }
0xf5: {  	[tilespmem:v7+s1+$0x0] =	vst.idx.add.f32.msk $0xffff, v6  }
0xf6: {  	v6 =	vld [tilespmem:s11+$0x650]  }
0xf7: {  	[tilespmem:v5+s31+$0x0] =	vst.idx.add.f32.msk $0xffff, v9  }
0xf8: {  	[tilespmem:v4+s31+$0x0] =	vst.idx.add.f32.msk $0xffff, v10  }
0xf9: {  	v9 =	vld [tilespmem:s11+$0xFFFFF9B0]  }
0xfa: {  	v10 =	vld [tilespmem:s11+$0xFFFFF9C0]  }
0xfb: {  	[tilespmem:v7+s20+$0x0] =	vst.idx.add.f32.msk $0xffff, v6  }
0xfc: {  	v6 =	vld [tilespmem:s11+$0xC90]  }
0xfd: {  	[tilespmem:v2+s0+$0x0] =	vst.idx.add.f32.msk $0xffff, v8  }
0xfe: {  	[tilespmem:v5+s0+$0x0] =	vst.idx.add.f32.msk $0xffff, v9  }
0xff: {  	[tilespmem:v4+s0+$0x0] =	vst.idx.add.f32.msk $0xffff, v10  }
0x100: {  	v8 =	vld [tilespmem:s11+$0xFFFFFFE0]  }
0x101: {  	[tilespmem:v7+s24+$0x0] =	vst.idx.add.f32.msk $0xffff, v6  }
0x102: {  	v6 =	vld [tilespmem:s11+$0x12D0]  }
0x103: {  	v9 =	vld [tilespmem:s11+$0xFFFFFFF0]  }
0x104: {  	v10 =	vld [tilespmem:s11+$0x0]  }
0x105: {  	[tilespmem:v2+s1+$0x0] =	vst.idx.add.f32.msk $0xffff, v8  }
0x106: {  	v8 =	vld [tilespmem:s11+$0x620]  }
0x107: {  	[tilespmem:v7+s25+$0x0] =	vst.idx.add.f32.msk $0xffff, v6  }
0x108: {  	v6 =	vld [tilespmem:s11+$0x1910]  }
0x109: {  	[tilespmem:v5+s1+$0x0] =	vst.idx.add.f32.msk $0xffff, v9  }
0x10a: {  	[tilespmem:v4+s1+$0x0] =	vst.idx.add.f32.msk $0xffff, v10  }
0x10b: {  	v9 =	vld [tilespmem:s11+$0x630]  }
0x10c: {  	v10 =	vld [tilespmem:s11+$0x640]  }
0x10d: {  	[tilespmem:v7+s7+$0x0] =	vst.idx.add.f32.msk $0xffff, v6  }
0x10e: {  	[tilespmem:v2+s20+$0x0] =	vst.idx.add.f32.msk $0xffff, v8  }
0x10f: {  	v6 =	vld [tilespmem:s11+$0xC60]  }
0x110: {  	[tilespmem:v5+s20+$0x0] =	vst.idx.add.f32.msk $0xffff, v9  }
0x111: {  	[tilespmem:v4+s20+$0x0] =	vst.idx.add.f32.msk $0xffff, v10  }
0x112: {  	v7 =	vld [tilespmem:s11+$0xC70]  }
0x113: {  	v8 =	vld [tilespmem:s11+$0xC80]  }
0x114: {  	[tilespmem:v2+s24+$0x0] =	vst.idx.add.f32.msk $0xffff, v6  }
0x115: {  	v6 =	vld [tilespmem:s11+$0x12A0]  }
0x116: {  	[tilespmem:v0+s7+$0x0] =	vst.idx.add.f32.msk $0xffff, v3;
	v0 =	vmov v5  }
0x117: {  	[tilespmem:v5+s24+$0x0] =	vst.idx.add.f32.msk $0xffff, v7  }
0x118: {  	[tilespmem:v4+s24+$0x0] =	vst.idx.add.f32.msk $0xffff, v8  }
0x119: {  	v3 =	vld [tilespmem:s11+$0x12B0]  }
0x11a: {  	v5 =	vld [tilespmem:s11+$0x12C0]  }
0x11b: {  	[tilespmem:v2+s25+$0x0] =	vst.idx.add.f32.msk $0xffff, v6  }
.Ltmp11:
0x11c: {  	v6 =	vld [tilespmem:s11+$0x18E0];
	(pc) =	sbr.rel @p0 .LBB2_21-.Ltmp11, $4  }
0x11d: {  	[tilespmem:v1+s7+$0x0] =	vst.idx.add.f32.msk $0xffff, v13;
	v1 =	vmov v4  }
0x11e: {  	[tilespmem:v0+s25+$0x0] =	vst.idx.add.f32.msk $0xffff, v3  }
0x11f: {  	[tilespmem:v4+s25+$0x0] =	vst.idx.add.f32.msk $0xffff, v5  }
0x120: {  	s14 =	sadd.s32 $0x40, s14;
	v3 =	vld [tilespmem:s11+$0x18F0]  }
0x121: {  	p0 =	seq.s32 s10, $0x31  }
0x122: {  	v4 =	vld [tilespmem:s13+$0x1900];
	s11 =	smul.u32 @!p0 $0xC80, s10;
	_ =	sdelay $0x1  }
0x123: {  	s11 =	sadd.s32 @!p0 $0xC80, s11  }
0x124: {  	[tilespmem:v2+s7+$0x0] =	vst.idx.add.f32.msk $0xffff, v6;
	s12 =	sadd.s32 @!p0 s5, s11  }
0x125: {  	s13 =	simm.s32 @!p0 $0x640;
	s14 =	simm.s32 @!p0 $0x27100;
	[tilespmem:v0+s7+$0x0] =	vst.idx.add.f32.msk $0xffff, v3;
	s12 =	sshrl.u32 @!p0 s12, $0x3  }
0x126: {  	s15 =	simm.s32 @!p0 $0x15F90;
	s11 =	sshrl.u32 @!p0 s11, $0x3;
	[tilespmem:v1+s7+$0x0] =	vst.idx.add.f32.msk $0xffff, v4;
	s12 =	sadd.s32 @!p0 s4, s12  }
0x127: {  	[tilespmem:s15], [sflag:$0x1] =	stream.strided.gather @!p0 [hbm4b:s12+s13], $0x3840, s14, s13, $0x38;
	[tilespmem:$0x1DD20] =	vst v63  }
0x128: {  	s11 =	sadd.s32 @!p0 s2, s11;
	s12 =	simm.s32 @!p0 $0x0;
	s13 =	simm.s32 @!p0 $0x1D010  }
0x129: {  	[tilespmem:s13], [sflag:$0x1] =	stream.linear.gather @!p0 [hbm4b:s11+s12], $0x640, $0x38;
	[tilespmem:$0x1DD20] =	vst v63  }
0x12a: {  	_ =	swait.ge [sflag:s8], $0x3840  }
0x12b: {  	[sflag:s8] =	ssyncset.done $0x0  }
0x12c: {  	[sflag:s8] =	ssyncadd.s32 $0xFFFFC7C0  }
0x12d: {  	_ =	swait.ge [sflag:s8], $0x640  }
0x12e: {  	[sflag:s8] =	ssyncset.done $0x0  }
0x12f: {  	s15 =	simm.s32 $0x0;
	[sflag:s8] =	ssyncadd.s32 $0xFFFFF9C0  }
0x130: {  	v3 =	vld [tilespmem:s15+$0x1D680]  }
0x131: {  	v2 =	vld [tilespmem:s15+$0x1D650]  }
0x132: {  	v0 =	vld [tilespmem:s15+$0x1D660]  }
0x133: {  	v4 =	vld [tilespmem:s15+$0x19800]  }
0x134: {  	v5 =	vld [tilespmem:s15+$0x197D0]  }
0x135: {  	v6 =	vld [tilespmem:s15+$0x197E0]  }
0x136: {  	v1 =	vld [tilespmem:s15+$0x1D670]  }
0x137: {  	v7 =	vld [tilespmem:s15+$0x197F0]  }
0x138: {  	[tilespmem:v3+s3+$0x0] =	vst.idx.add.f32.msk $0xffff, v4  }
0x139: {  	[tilespmem:v2+s3+$0x0] =	vst.idx.add.f32.msk $0xffff, v5  }
0x13a: {  	[tilespmem:v0+s3+$0x0] =	vst.idx.add.f32.msk $0xffff, v6  }
0x13b: {  	v4 =	vld [tilespmem:s15+$0x19E40]  }
0x13c: {  	v5 =	vld [tilespmem:s15+$0x19E10]  }
0x13d: {  	v6 =	vld [tilespmem:s15+$0x19E20]  }
0x13e: {  	[tilespmem:v1+s3+$0x0] =	vst.idx.add.f32.msk $0xffff, v7  }
0x13f: {  	v7 =	vld [tilespmem:s15+$0x19E30]  }
0x140: {  	[tilespmem:v3+s30+$0x0] =	vst.idx.add.f32.msk $0xffff, v4  }
0x141: {  	[tilespmem:v2+s30+$0x0] =	vst.idx.add.f32.msk $0xffff, v5  }
0x142: {  	[tilespmem:v0+s30+$0x0] =	vst.idx.add.f32.msk $0xffff, v6  }
0x143: {  	v4 =	vld [tilespmem:s15+$0x1A480]  }
0x144: {  	v5 =	vld [tilespmem:s15+$0x1A450]  }
0x145: {  	[tilespmem:v1+s30+$0x0] =	vst.idx.add.f32.msk $0xffff, v7  }
0x146: {  	v6 =	vld [tilespmem:s15+$0x1A460]  }
0x147: {  	v7 =	vld [tilespmem:s15+$0x1A470]  }
0x148: {  	[tilespmem:v3+s31+$0x0] =	vst.idx.add.f32.msk $0xffff, v4  }
0x149: {  	[tilespmem:v2+s31+$0x0] =	vst.idx.add.f32.msk $0xffff, v5  }
0x14a: {  	v4 =	vld [tilespmem:s15+$0x1AAC0]  }
0x14b: {  	[tilespmem:v0+s31+$0x0] =	vst.idx.add.f32.msk $0xffff, v6  }
0x14c: {  	[tilespmem:v1+s31+$0x0] =	vst.idx.add.f32.msk $0xffff, v7  }
0x14d: {  	v5 =	vld [tilespmem:s15+$0x1AA90]  }
0x14e: {  	v6 =	vld [tilespmem:s15+$0x1AAA0]  }
0x14f: {  	[tilespmem:v3+s0+$0x0] =	vst.idx.add.f32.msk $0xffff, v4  }
0x150: {  	v4 =	vld [tilespmem:s15+$0x1B100]  }
0x151: {  	v7 =	vld [tilespmem:s15+$0x1AAB0]  }
0x152: {  	[tilespmem:v2+s0+$0x0] =	vst.idx.add.f32.msk $0xffff, v5  }
0x153: {  	[tilespmem:v0+s0+$0x0] =	vst.idx.add.f32.msk $0xffff, v6  }
0x154: {  	v5 =	vld [tilespmem:s15+$0x1B0D0]  }
0x155: {  	[tilespmem:v3+s1+$0x0] =	vst.idx.add.f32.msk $0xffff, v4  }
0x156: {  	v4 =	vld [tilespmem:s15+$0x1B740]  }
0x157: {  	[tilespmem:v1+s0+$0x0] =	vst.idx.add.f32.msk $0xffff, v7  }
0x158: {  	v6 =	vld [tilespmem:s15+$0x1B0E0]  }
0x159: {  	v7 =	vld [tilespmem:s15+$0x1B0F0]  }
0x15a: {  	[tilespmem:v2+s1+$0x0] =	vst.idx.add.f32.msk $0xffff, v5  }
0x15b: {  	[tilespmem:v3+s20+$0x0] =	vst.idx.add.f32.msk $0xffff, v4  }
0x15c: {  	v4 =	vld [tilespmem:s15+$0x1BD80]  }
0x15d: {  	[tilespmem:v0+s1+$0x0] =	vst.idx.add.f32.msk $0xffff, v6  }
0x15e: {  	[tilespmem:v1+s1+$0x0] =	vst.idx.add.f32.msk $0xffff, v7  }
0x15f: {  	v5 =	vld [tilespmem:s15+$0x1B710]  }
0x160: {  	v6 =	vld [tilespmem:s15+$0x1B720]  }
0x161: {  	[tilespmem:v3+s24+$0x0] =	vst.idx.add.f32.msk $0xffff, v4  }
0x162: {  	v4 =	vld [tilespmem:s15+$0x1C3C0]  }
0x163: {  	v7 =	vld [tilespmem:s15+$0x1B730]  }
0x164: {  	[tilespmem:v2+s20+$0x0] =	vst.idx.add.f32.msk $0xffff, v5  }
0x165: {  	[tilespmem:v0+s20+$0x0] =	vst.idx.add.f32.msk $0xffff, v6  }
0x166: {  	v5 =	vld [tilespmem:s15+$0x1BD60]  }
0x167: {  	[tilespmem:v3+s25+$0x0] =	vst.idx.add.f32.msk $0xffff, v4  }
0x168: {  	v4 =	vld [tilespmem:s15+$0x1BD50]  }
0x169: {  	[tilespmem:v1+s20+$0x0] =	vst.idx.add.f32.msk $0xffff, v7  }
0x16a: {  	v6 =	vld [tilespmem:s15+$0x1BD70]  }
0x16b: {  	[tilespmem:v0+s24+$0x0] =	vst.idx.add.f32.msk $0xffff, v5  }
0x16c: {  	v5 =	vld [tilespmem:s15+$0x1C3A0]  }
0x16d: {  	[tilespmem:v2+s24+$0x0] =	vst.idx.add.f32.msk $0xffff, v4  }
0x16e: {  	v4 =	vld [tilespmem:s15+$0x1C390]  }
0x16f: {  	[tilespmem:v1+s24+$0x0] =	vst.idx.add.f32.msk $0xffff, v6  }
0x170: {  	v8 =	vld [tilespmem:s15+$0x1C3B0]  }
0x171: {  	v7 =	vld [tilespmem:s15+$0x1CA00]  }
0x172: {  	[tilespmem:v0+s25+$0x0] =	vst.idx.add.f32.msk $0xffff, v5  }
0x173: {  	[tilespmem:v2+s25+$0x0] =	vst.idx.add.f32.msk $0xffff, v4  }
0x174: {  	v6 =	vld [tilespmem:s15+$0x1C9D0]  }
0x175: {  	[tilespmem:v1+s25+$0x0] =	vst.idx.add.f32.msk $0xffff, v8  }
0x176: {  	[tilespmem:v3+s7+$0x0] =	vst.idx.add.f32.msk $0xffff, v7  }
0x177: {  	v3 =	vld [tilespmem:s15+$0x1C9F0]  }
0x178: {  	s11 =	simm.s32 $0x0;
	s12 =	simm.s32 $0x100;
	v4 =	vld [tilespmem:s15+$0x1C9E0]  }
.LBB2_23:
0x179: {  	s13 =	sshra.s32 s12, $0x2;
	s11 =	sadd.s32 $0x4, s11;
	[tilespmem:v2+s7+$0x0] =	vst.idx.add.f32.msk $0xffff, v6  }
0x17a: {  	v6 =	vld [tilespmem:s13+$0x1D680];
	p1 =	slt.u32 s11, $0x60  }
0x17b: {  	v2 =	vld [tilespmem:s13+$0x1D650]  }
0x17c: {  	v7 =	vld [tilespmem:s13+$0x1D660]  }
0x17d: {  	v8 =	vld [tilespmem:s13+$0x19800]  }
0x17e: {  	v5 =	vld [tilespmem:s13+$0x1D670]  }
0x17f: {  	v9 =	vld [tilespmem:s13+$0x197D0]  }
0x180: {  	v10 =	vld [tilespmem:s13+$0x197E0]  }
0x181: {  	v11 =	vld [tilespmem:s13+$0x197F0]  }
0x182: {  	[tilespmem:v6+s3+$0x0] =	vst.idx.add.f32.msk $0xffff, v8  }
0x183: {  	v8 =	vld [tilespmem:s13+$0x19E40]  }
0x184: {  	[tilespmem:v2+s3+$0x0] =	vst.idx.add.f32.msk $0xffff, v9  }
0x185: {  	[tilespmem:v7+s3+$0x0] =	vst.idx.add.f32.msk $0xffff, v10  }
0x186: {  	[tilespmem:v5+s3+$0x0] =	vst.idx.add.f32.msk $0xffff, v11  }
0x187: {  	v9 =	vld [tilespmem:s13+$0x19E10]  }
0x188: {  	[tilespmem:v6+s30+$0x0] =	vst.idx.add.f32.msk $0xffff, v8  }
0x189: {  	v8 =	vld [tilespmem:s13+$0x1A480]  }
0x18a: {  	v10 =	vld [tilespmem:s13+$0x19E20]  }
0x18b: {  	v11 =	vld [tilespmem:s13+$0x19E30]  }
0x18c: {  	[tilespmem:v2+s30+$0x0] =	vst.idx.add.f32.msk $0xffff, v9  }
0x18d: {  	v9 =	vld [tilespmem:s13+$0x1A450]  }
0x18e: {  	[tilespmem:v6+s31+$0x0] =	vst.idx.add.f32.msk $0xffff, v8  }
0x18f: {  	v8 =	vld [tilespmem:s13+$0x1AAC0]  }
0x190: {  	[tilespmem:v7+s30+$0x0] =	vst.idx.add.f32.msk $0xffff, v10  }
0x191: {  	[tilespmem:v5+s30+$0x0] =	vst.idx.add.f32.msk $0xffff, v11  }
0x192: {  	v10 =	vld [tilespmem:s13+$0x1A460]  }
0x193: {  	v11 =	vld [tilespmem:s13+$0x1A470]  }
0x194: {  	[tilespmem:v6+s0+$0x0] =	vst.idx.add.f32.msk $0xffff, v8  }
0x195: {  	v8 =	vld [tilespmem:s13+$0x1B100]  }
0x196: {  	[tilespmem:v2+s31+$0x0] =	vst.idx.add.f32.msk $0xffff, v9  }
0x197: {  	[tilespmem:v7+s31+$0x0] =	vst.idx.add.f32.msk $0xffff, v10  }
0x198: {  	[tilespmem:v5+s31+$0x0] =	vst.idx.add.f32.msk $0xffff, v11  }
0x199: {  	v9 =	vld [tilespmem:s13+$0x1AA90]  }
0x19a: {  	[tilespmem:v6+s1+$0x0] =	vst.idx.add.f32.msk $0xffff, v8  }
0x19b: {  	v8 =	vld [tilespmem:s13+$0x1B740]  }
0x19c: {  	v10 =	vld [tilespmem:s13+$0x1AAA0]  }
0x19d: {  	v11 =	vld [tilespmem:s13+$0x1AAB0]  }
0x19e: {  	[tilespmem:v2+s0+$0x0] =	vst.idx.add.f32.msk $0xffff, v9  }
0x19f: {  	v9 =	vld [tilespmem:s13+$0x1B0D0]  }
0x1a0: {  	[tilespmem:v6+s20+$0x0] =	vst.idx.add.f32.msk $0xffff, v8  }
0x1a1: {  	v8 =	vld [tilespmem:s13+$0x1BD80]  }
0x1a2: {  	[tilespmem:v7+s0+$0x0] =	vst.idx.add.f32.msk $0xffff, v10  }
0x1a3: {  	[tilespmem:v5+s0+$0x0] =	vst.idx.add.f32.msk $0xffff, v11  }
0x1a4: {  	v10 =	vld [tilespmem:s13+$0x1B0E0]  }
0x1a5: {  	v11 =	vld [tilespmem:s13+$0x1B0F0]  }
0x1a6: {  	[tilespmem:v6+s24+$0x0] =	vst.idx.add.f32.msk $0xffff, v8  }
0x1a7: {  	v8 =	vld [tilespmem:s13+$0x1C3C0]  }
0x1a8: {  	[tilespmem:v2+s1+$0x0] =	vst.idx.add.f32.msk $0xffff, v9  }
0x1a9: {  	[tilespmem:v7+s1+$0x0] =	vst.idx.add.f32.msk $0xffff, v10  }
0x1aa: {  	[tilespmem:v5+s1+$0x0] =	vst.idx.add.f32.msk $0xffff, v11  }
0x1ab: {  	v9 =	vld [tilespmem:s13+$0x1B710]  }
0x1ac: {  	[tilespmem:v6+s25+$0x0] =	vst.idx.add.f32.msk $0xffff, v8  }
0x1ad: {  	v8 =	vld [tilespmem:s13+$0x1CA00]  }
0x1ae: {  	v10 =	vld [tilespmem:s13+$0x1B720]  }
0x1af: {  	v11 =	vld [tilespmem:s13+$0x1B730]  }
0x1b0: {  	[tilespmem:v2+s20+$0x0] =	vst.idx.add.f32.msk $0xffff, v9  }
0x1b1: {  	v9 =	vld [tilespmem:s13+$0x1BD50]  }
0x1b2: {  	[tilespmem:v6+s7+$0x0] =	vst.idx.add.f32.msk $0xffff, v8  }
0x1b3: {  	[tilespmem:v7+s20+$0x0] =	vst.idx.add.f32.msk $0xffff, v10  }
0x1b4: {  	[tilespmem:v5+s20+$0x0] =	vst.idx.add.f32.msk $0xffff, v11  }
0x1b5: {  	v6 =	vld [tilespmem:s13+$0x1BD60]  }
0x1b6: {  	v8 =	vld [tilespmem:s13+$0x1BD70]  }
0x1b7: {  	[tilespmem:v2+s24+$0x0] =	vst.idx.add.f32.msk $0xffff, v9  }
0x1b8: {  	v9 =	vld [tilespmem:s13+$0x1C390]  }
0x1b9: {  	[tilespmem:v0+s7+$0x0] =	vst.idx.add.f32.msk $0xffff, v4;
	v0 =	vmov v7  }
0x1ba: {  	[tilespmem:v7+s24+$0x0] =	vst.idx.add.f32.msk $0xffff, v6  }
0x1bb: {  	[tilespmem:v5+s24+$0x0] =	vst.idx.add.f32.msk $0xffff, v8  }
0x1bc: {  	v4 =	vld [tilespmem:s13+$0x1C3A0]  }
0x1bd: {  	v7 =	vld [tilespmem:s13+$0x1C3B0]  }
0x1be: {  	[tilespmem:v2+s25+$0x0] =	vst.idx.add.f32.msk $0xffff, v9  }
0x1bf: {  	v6 =	vld [tilespmem:s13+$0x1C9D0]  }
.Ltmp12:
0x1c0: {  	[tilespmem:v1+s7+$0x0] =	vst.idx.add.f32.msk $0xffff, v3;
	v1 =	vmov v5;
	(pc) =	sbr.rel @p1 .LBB2_23-.Ltmp12, $4  }
0x1c1: {  	[tilespmem:v0+s25+$0x0] =	vst.idx.add.f32.msk $0xffff, v4  }
0x1c2: {  	[tilespmem:v5+s25+$0x0] =	vst.idx.add.f32.msk $0xffff, v7  }
0x1c3: {  	v4 =	vld [tilespmem:s13+$0x1C9E0]  }
0x1c4: {  	s12 =	sadd.s32 $0x100, s12;
	v3 =	vld [tilespmem:s13+$0x1C9F0]  }
0x1c5: {  	_ =	sdelay $0x1  }
.Ltmp13:
0x1c6: {  	_ = 	snop;
	(pc) =	sbr.rel @p0 .LBB2_26-.Ltmp13, $4  }
0x1c7: {  	_ = 	snop  }
0x1c8: {  	[tilespmem:v2+s7+$0x0] =	vst.idx.add.f32.msk $0xffff, v6  }
0x1c9: {  	[tilespmem:v0+s7+$0x0] =	vst.idx.add.f32.msk $0xffff, v4  }
0x1ca: {  	[tilespmem:v1+s7+$0x0] =	vst.idx.add.f32.msk $0xffff, v3  }
0x1cb: {  	s11 =	smul.u32 $0xC80, s10;
	_ =	sdelay $0x1  }
0x1cc: {  	s11 =	sadd.s32 $0x12C0, s11  }
0x1cd: {  	s12 =	sadd.s32 s5, s11  }
.Ltmp14:
0x1ce: {  	s12 =	sshrl.u32 s12, $0x3;
	(pc) =	sbr.rel .LBB2_20-.Ltmp14, $4  }
0x1cf: {  	s11 =	sshrl.u32 s11, $0x3;
	s12 =	sadd.s32 s4, s12  }
0x1d0: {  	[tilespmem:s26], [sflag:$0x2] =	stream.strided.gather [hbm4b:s12+s22], $0x3840, s23, s22, $0x38;
	[tilespmem:$0x1DD20] =	vst v63  }
0x1d1: {  	s10 =	sadd.s32 $0x1, s10;
	s11 =	sadd.s32 s2, s11  }
0x1d2: {  	[tilespmem:s28], [sflag:$0x2] =	stream.linear.gather [hbm4b:s11+s3], $0x640, $0x38;
	[tilespmem:$0x1DD20] =	vst v63  }
.LBB2_27:
0x1d3: {  	_ =	sfence.sel $0x180000  }
0x1d4: {  	[bflag:$0x0] =	sbarrier.arrive $0xFFFF  }
0x1d5: {  	_ =	strace $0x90000047  }
0x1d6: {  	s0 =	stileid.u32;
	[bflag:$0x2] =	sbarrier.arrive $0xFFFF  }
0x1d7: {  	p0 =	sne.s32 s0, $0x0;
	s0 =	rddreg [dreg:$0x2]  }
0x1d8: {  	s0 =	sadd.s32 @!p0 $0x100000, s0  }
0x1d9: {  	[sflag:s0] =	ssyncadd.tile.s32 @!p0 $0x1;
	_ =	shalt  }
.Lfunc_end2:
_tile_overlayer_lowered:
.L_overlay_start_2:
0x1da: {  	(tag) =	ssettag $0x2  }
0x1db: {  	s0 =	rddreg [dreg:$0x0];
	s2 =	stileid.u32  }
0x1dc: {  	s1 =	rddreg [dreg:$0x1];
	p0 =	sne.s32 s2, $0x0  }
0x1dd: {  	s3 =	rddreg [dreg:$0x2];
	[bflag:$0x3] =	sbarrier.arrive $0xFFFF;
	s2 =	simm.s32 @!p0 $0x1C03  }
0x1de: {  	[timem:s3], [sflag:s2] =	dma.local @!p0 [hbm:s0], s1  }
0x1df: {  	s0 =	simm.s32 @!p0 $0x3  }
0x1e0: {  	_ =	swait.ge @!p0 [sflag:s0], s1  }
0x1e1: {  	s1 =	ssub.s32 @!p0 $0x0, s1;
	[sflag:s0] =	ssyncset.done @!p0 $0x0  }
0x1e2: {  	[sflag:s0] =	ssyncadd.s32 @!p0 s1  }
0x1e3: {  	[bflag:$0x3] =	sbarrier.arrive $0xFFFF  }
0x1e4: {  	_ =	shalt  }

</sc_bundles>
